<compile_context>
chip_gen: v7x
topology: tpu7x:2x2x1
jax: 0.10.2.dev20260603
libtpu: 0.0.44.dev20260713+nightly
codegen_flags: <defaults>
</compile_context>

<pallas_src>
import functools

import jax
import jax.numpy as jnp
from jax import lax
from jax.experimental import pallas as pl
from jax.experimental.pallas import tpu as pltpu
from jax.experimental.pallas import tpu_sc as plsc

N_NODES = 10000
FDIM = 128
NCORES = 2
NSUB = 16
NTILES = NCORES * NSUB
CHUNK = 128
NCHUNKS = 80
HALF = NCHUNKS // 2
ACC_ROWS = N_NODES + 8
ROWS_PER_TILE = 624
TAIL_START = NSUB * ROWS_PER_TILE
TAIL_ROWS = N_NODES - TAIL_START


def _quat_mul_mat(k):
    r, i, j, q = jnp.split(k, 4, axis=1)
    r2 = jnp.concatenate([r, -i, -j, -q], axis=0)
    i2 = jnp.concatenate([i, r, -q, j], axis=0)
    j2 = jnp.concatenate([j, q, r, -i], axis=0)
    k2 = jnp.concatenate([q, -j, i, r], axis=0)
    return jnp.concatenate([r2, i2, j2, k2], axis=1)


def _sc_aggregate(x, src, dst):
    mesh = plsc.VectorSubcoreMesh(core_axis_name="c", subcore_axis_name="s")

    @functools.partial(
        pl.kernel,
        out_type=jax.ShapeDtypeStruct((NCORES, N_NODES, FDIM), jnp.float32),
        mesh=mesh,
        scratch_types=[
            pltpu.VMEM((HALF, CHUNK), jnp.int32),
            pltpu.VMEM((HALF, CHUNK), jnp.int32),
            pltpu.VMEM((CHUNK, FDIM), jnp.float32),
            pltpu.VMEM((CHUNK, FDIM), jnp.float32),
            pltpu.VMEM_SHARED((ACC_ROWS, FDIM), jnp.float32),
            pltpu.SemaphoreType.DMA,
            pltpu.SemaphoreType.DMA,
        ],
    )
    def body(x_hbm, src_hbm, dst_hbm, out_hbm, src_v, dst_v, rows0, rows1,
             acc, sem0, sem1):
        c = lax.axis_index("c")
        s = lax.axis_index("s")
        wid = c * NSUB + s
        bufs = (rows0, rows1)
        sems = (sem0, sem1)

        zero16 = jnp.zeros((16,), jnp.float32)

        def zero_row(i, carry):
            for j in range(FDIM // 16):
                rows0[i, pl.ds(j * 16, 16)] = zero16
            return carry

        lax.fori_loop(0, CHUNK, zero_row, 0)

        row0 = s * ROWS_PER_TILE
        nz_full = ROWS_PER_TILE // CHUNK
        nz_rem = ROWS_PER_TILE % CHUNK

        def zero_acc(i, carry):
            pltpu.sync_copy(rows0, acc.at[pl.ds(row0 + i * CHUNK, CHUNK)])
            return carry

        lax.fori_loop(0, nz_full, zero_acc, 0)
        if nz_rem:
            pltpu.sync_copy(
                rows0.at[pl.ds(0, nz_rem)],
                acc.at[pl.ds(row0 + nz_full * CHUNK, nz_rem)],
            )

        @pl.when(s == NSUB - 1)
        def _():
            pltpu.sync_copy(
                rows0.at[pl.ds(0, TAIL_ROWS)],
                acc.at[pl.ds(TAIL_START, TAIL_ROWS)],
            )

        plsc.subcore_barrier()

        def gstart(chunk_idx, b):
            pltpu.async_copy(x_hbm.at[src_v.at[chunk_idx]], bufs[b], sems[b])

        def gwait(chunk_idx, b):
            pltpu.make_async_copy(
                x_hbm.at[src_v.at[chunk_idx]], bufs[b], sems[b]
            ).wait()

        n_iter = HALF // 2
        for h in range(NCHUNKS // HALF):
            pltpu.sync_copy(src_hbm.at[wid, pl.ds(h * HALF, HALF)], src_v)
            pltpu.sync_copy(dst_hbm.at[wid, pl.ds(h * HALF, HALF)], dst_v)
            gstart(0, 0)
            gstart(1, 1)

            def step(it, carry):
                i0 = it * 2
                for b in range(2):
                    i = i0 + b
                    gwait(i, b)
                    pltpu.sync_copy(bufs[b], acc.at[dst_v.at[i]], add=True)

                    @pl.when(it < n_iter - 1)
                    def _():
                        gstart(i + 2, b)

                return carry

            lax.fori_loop(0, n_iter, step, 0)
        plsc.subcore_barrier()

        pltpu.sync_copy(
            acc.at[pl.ds(row0, ROWS_PER_TILE)],
            out_hbm.at[c, pl.ds(row0, ROWS_PER_TILE)],
        )

        @pl.when(s == NSUB - 1)
        def _():
            pltpu.sync_copy(
                acc.at[pl.ds(TAIL_START, TAIL_ROWS)],
                out_hbm.at[c, pl.ds(TAIL_START, TAIL_ROWS)],
            )

    return body(x, src, dst)


def _tc_finish(partials, A, B, gamma2d, beta2d):

    def body(p_ref, a_ref, b_ref, g_ref, bt_ref, o_ref):
        agg = p_ref[0] + p_ref[1]
        a_h = _quat_mul_mat(a_ref[...])
        b_h = _quat_mul_mat(b_ref[...])
        zeros = jnp.zeros_like(a_h)
        w = jnp.concatenate(
            [
                jnp.concatenate([a_h, b_h], axis=1),
                jnp.concatenate([zeros, a_h], axis=1),
            ],
            axis=0,
        )
        s = lax.dot_general(
            agg,
            w,
            (((1,), (0,)), ((), ())),
            preferred_element_type=jnp.float32,
            precision=lax.Precision.HIGHEST,
        )
        mean = jnp.mean(s, axis=0, keepdims=True)
        d = s - mean
        var = jnp.mean(d * d, axis=0, keepdims=True)
        o_ref[...] = jnp.tanh(
            d * lax.rsqrt(var + 1e-5) * g_ref[...] + bt_ref[...]
        )

    return pl.pallas_call(
        body,
        out_shape=jax.ShapeDtypeStruct((N_NODES, FDIM), jnp.float32),
    )(partials, A, B, gamma2d, beta2d)


def kernel(input, edge_index, A, B, gamma, beta):
    ei = edge_index.astype(jnp.int32)
    n_edges = ei.shape[1]
    per_tile = n_edges // NTILES
    pad_per_tile = NCHUNKS * CHUNK - per_tile
    pad_dst = jnp.broadcast_to(
        N_NODES + (jnp.arange(pad_per_tile, dtype=jnp.int32) % 8),
        (NTILES, pad_per_tile),
    )
    pad_src = jnp.zeros((NTILES, pad_per_tile), jnp.int32)
    dst = jnp.concatenate(
        [ei[0].reshape(NTILES, per_tile), pad_dst], axis=1
    ).reshape(NTILES, NCHUNKS, CHUNK)
    src = jnp.concatenate(
        [ei[1].reshape(NTILES, per_tile), pad_src], axis=1
    ).reshape(NTILES, NCHUNKS, CHUNK)
    partials = _sc_aggregate(input, src, dst)
    return _tc_finish(
        partials, A, B, gamma.reshape(1, FDIM), beta.reshape(1, FDIM)
    )

# --- scband reference (transcript-rebuilt; emitter-appended) ---
"""Pipeline reference for scband-dqgnn-layer-31112743092862 (READ-ONLY COPY).

The authoritative reference and input builder live on the scoring server;
editing this copy changes nothing except your own understanding.
"""

import jax, jax.numpy as jnp
import numpy as np

N_NODES = 10000
N_EDGES = 320000
IN_F = 128
OUT_F = 128


def make_quaternion_mul(kernel):
    r, i, j, k = jnp.split(kernel, 4, axis=1)
    r2 = jnp.concatenate([r, -i, -j, -k], axis=0)
    i2 = jnp.concatenate([i, r, -k, j], axis=0)
    j2 = jnp.concatenate([j, k, r, -i], axis=0)
    k2 = jnp.concatenate([k, -j, i, r], axis=0)
    return jnp.concatenate([r2, i2, j2, k2], axis=1)


def setup_inputs(seed: int = 0) -> dict:
    key = jax.random.key(seed)
    k1, k2, k3, k4 = jax.random.split(key, 4)
    x = jax.random.normal(k1, (N_NODES, IN_F), dtype=jnp.float32)
    edge_index = jax.random.randint(k2, (2, N_EDGES), 0, N_NODES, dtype=jnp.int64) if jax.config.read('jax_enable_x64') else jax.random.randint(k2, (2, N_EDGES), 0, N_NODES, dtype=jnp.int32)
    stdv = float(np.sqrt(6.0 / (IN_F // 8 + OUT_F // 2)))
    A = jax.random.uniform(k3, (IN_F // 8, OUT_F // 2), dtype=jnp.float32, minval=-stdv, maxval=stdv)
    B = jax.random.uniform(k4, (IN_F // 8, OUT_F // 2), dtype=jnp.float32, minval=-stdv, maxval=stdv)
    gamma = jnp.ones((OUT_F,), dtype=jnp.float32)
    beta = jnp.zeros((OUT_F,), dtype=jnp.float32)
    return {"input": x, "edge_index": edge_index, "A": A, "B": B, "gamma": gamma, "beta": beta}


def reference(input, edge_index, A, B, gamma, beta):
    # dual_quaternion_mul: (A, B) * (C, D) = (A*C, A*D + B*C)
    C, D = jnp.split(input, 2, axis=1)
    A_h = make_quaternion_mul(A)
    B_h = make_quaternion_mul(B)
    AC = C @ A_h
    AD = D @ A_h
    BC = C @ B_h
    support = jnp.concatenate([AC, AD + BC], axis=1)
    # spmm(adj, support): adj built from edge_index with unit weights;
    # edge_index[0] = dst rows, edge_index[1] = src cols
    dst = edge_index[0]
    src = edge_index[1]
    gathered = jnp.take(support, src, axis=0)
    output = jax.ops.segment_sum(gathered, dst, num_segments=input.shape[0])
    # BatchNorm1d (training mode, biased variance)
    mean = jnp.mean(output, axis=0)
    var = jnp.var(output, axis=0)
    output = (output - mean) / jnp.sqrt(var + 1e-5) * gamma + beta
    return jnp.tanh(output)

if __name__ == "__main__":
    import jax
    _d = setup_inputs()
    print(jax.jit(kernel)(*tuple(_d.values())))

</pallas_src>

<mosaic_0001>
#map = affine_map<(d0, d1) -> (0, 0)>
#map1 = affine_map<(d0, d1) -> (0, 0, 0)>
module attributes {stable_mosaic.version = 14 : i64} {
  func.func @body(%arg0: i32, %arg1: i32, %arg2: memref<10000x128xf32, #tpu.memory_space<hbm>>, %arg3: memref<32x80x128xi32, #tpu.memory_space<hbm>>, %arg4: memref<32x80x128xi32, #tpu.memory_space<hbm>>, %arg5: memref<2x10000x128xf32, #tpu.memory_space<hbm>>, %arg6: memref<40x128xi32, #tpu.memory_space<vmem>>, %arg7: memref<40x128xi32, #tpu.memory_space<vmem>>, %arg8: memref<128x128xf32, #tpu.memory_space<vmem>>, %arg9: memref<128x128xf32, #tpu.memory_space<vmem>>, %arg10: memref<10008x128xf32, #tpu.memory_space<vmem_shared>>, %arg11: memref<!tpu.dma_semaphore, #tpu.memory_space<semaphore_mem>>, %arg12: memref<!tpu.dma_semaphore, #tpu.memory_space<semaphore_mem>>) attributes {dimension_semantics = [#tpu.dimension_semantics<core_parallel>, #tpu.dimension_semantics<subcore_parallel>], iteration_bounds = array<i64: 2, 16>, scalar_prefetch = 0 : i64, scratch_operands = 7 : i64, tpu.core_type = #tpu.core_type<sc_vector_subcore>, window_params = [{transform_indices = #map}, {transform_indices = #map1}, {transform_indices = #map1}, {transform_indices = #map1}]} {
    %mul3A = arith.constant 16 : i32
    %mul3A_0 = arith.muli %arg0, %mul3A : i32
    %add3A = arith.addi %mul3A_0, %arg1 : i32
    %broadcast_in_dim3A = arith.constant 0.000000e+00 : f32
    %broadcast_in_dim3A_1 = vector.broadcast %broadcast_in_dim3A : f32 to vector<16xf32>
    %scan3A = arith.constant 0 : i32
    %scan3A_2 = arith.constant 0 : i32
    %scan3A_3 = arith.constant 128 : i32
    %scan3A_4 = arith.addi %scan3A_2, %scan3A_3 : i32
    %scan3A_5 = arith.constant 1 : i32
    scf.for %scan3A_64 = %scan3A_2 to %scan3A_4 step %scan3A_5  : i32 {
      %swap3A = arith.index_cast %scan3A_64 : i32 to index
      %swap3A_65 = arith.constant 0 : index
      %swap3A_66 = tpu.vector_load %arg8[%swap3A, %swap3A_65] {strides = array<i32>} : memref<128x128xf32, #tpu.memory_space<vmem>>, vector<1x16xf32>,
      %swap3A_67 = vector.shape_cast %swap3A_66 : vector<1x16xf32> to vector<16xf32>
      %swap3A_68 = vector.shape_cast %broadcast_in_dim3A_1 : vector<16xf32> to vector<1x16xf32>
      tpu.vector_store %arg8[%swap3A, %swap3A_65], %swap3A_68 {strides = array<i32>} : memref<128x128xf32, #tpu.memory_space<vmem>>, vector<1x16xf32>,
      %swap3A_69 = arith.index_cast %scan3A_64 : i32 to index
      %swap3A_70 = arith.constant 16 : index
      %swap3A_71 = tpu.vector_load %arg8[%swap3A_69, %swap3A_70] {strides = array<i32>} : memref<128x128xf32, #tpu.memory_space<vmem>>, vector<1x16xf32>,
      %swap3A_72 = vector.shape_cast %swap3A_71 : vector<1x16xf32> to vector<16xf32>
      %swap3A_73 = vector.shape_cast %broadcast_in_dim3A_1 : vector<16xf32> to vector<1x16xf32>
      tpu.vector_store %arg8[%swap3A_69, %swap3A_70], %swap3A_73 {strides = array<i32>} : memref<128x128xf32, #tpu.memory_space<vmem>>, vector<1x16xf32>,
      %swap3A_74 = arith.index_cast %scan3A_64 : i32 to index
      %swap3A_75 = arith.constant 32 : index
      %swap3A_76 = tpu.vector_load %arg8[%swap3A_74, %swap3A_75] {strides = array<i32>} : memref<128x128xf32, #tpu.memory_space<vmem>>, vector<1x16xf32>,
      %swap3A_77 = vector.shape_cast %swap3A_76 : vector<1x16xf32> to vector<16xf32>
      %swap3A_78 = vector.shape_cast %broadcast_in_dim3A_1 : vector<16xf32> to vector<1x16xf32>
      tpu.vector_store %arg8[%swap3A_74, %swap3A_75], %swap3A_78 {strides = array<i32>} : memref<128x128xf32, #tpu.memory_space<vmem>>, vector<1x16xf32>,
      %swap3A_79 = arith.index_cast %scan3A_64 : i32 to index
      %swap3A_80 = arith.constant 48 : index
      %swap3A_81 = tpu.vector_load %arg8[%swap3A_79, %swap3A_80] {strides = array<i32>} : memref<128x128xf32, #tpu.memory_space<vmem>>, vector<1x16xf32>,
      %swap3A_82 = vector.shape_cast %swap3A_81 : vector<1x16xf32> to vector<16xf32>
      %swap3A_83 = vector.shape_cast %broadcast_in_dim3A_1 : vector<16xf32> to vector<1x16xf32>
      tpu.vector_store %arg8[%swap3A_79, %swap3A_80], %swap3A_83 {strides = array<i32>} : memref<128x128xf32, #tpu.memory_space<vmem>>, vector<1x16xf32>,
      %swap3A_84 = arith.index_cast %scan3A_64 : i32 to index
      %swap3A_85 = arith.constant 64 : index
      %swap3A_86 = tpu.vector_load %arg8[%swap3A_84, %swap3A_85] {strides = array<i32>} : memref<128x128xf32, #tpu.memory_space<vmem>>, vector<1x16xf32>,
      %swap3A_87 = vector.shape_cast %swap3A_86 : vector<1x16xf32> to vector<16xf32>
      %swap3A_88 = vector.shape_cast %broadcast_in_dim3A_1 : vector<16xf32> to vector<1x16xf32>
      tpu.vector_store %arg8[%swap3A_84, %swap3A_85], %swap3A_88 {strides = array<i32>} : memref<128x128xf32, #tpu.memory_space<vmem>>, vector<1x16xf32>,
      %swap3A_89 = arith.index_cast %scan3A_64 : i32 to index
      %swap3A_90 = arith.constant 80 : index
      %swap3A_91 = tpu.vector_load %arg8[%swap3A_89, %swap3A_90] {strides = array<i32>} : memref<128x128xf32, #tpu.memory_space<vmem>>, vector<1x16xf32>,
      %swap3A_92 = vector.shape_cast %swap3A_91 : vector<1x16xf32> to vector<16xf32>
      %swap3A_93 = vector.shape_cast %broadcast_in_dim3A_1 : vector<16xf32> to vector<1x16xf32>
      tpu.vector_store %arg8[%swap3A_89, %swap3A_90], %swap3A_93 {strides = array<i32>} : memref<128x128xf32, #tpu.memory_space<vmem>>, vector<1x16xf32>,
      %swap3A_94 = arith.index_cast %scan3A_64 : i32 to index
      %swap3A_95 = arith.constant 96 : index
      %swap3A_96 = tpu.vector_load %arg8[%swap3A_94, %swap3A_95] {strides = array<i32>} : memref<128x128xf32, #tpu.memory_space<vmem>>, vector<1x16xf32>,
      %swap3A_97 = vector.shape_cast %swap3A_96 : vector<1x16xf32> to vector<16xf32>
      %swap3A_98 = vector.shape_cast %broadcast_in_dim3A_1 : vector<16xf32> to vector<1x16xf32>
      tpu.vector_store %arg8[%swap3A_94, %swap3A_95], %swap3A_98 {strides = array<i32>} : memref<128x128xf32, #tpu.memory_space<vmem>>, vector<1x16xf32>,
      %swap3A_99 = arith.index_cast %scan3A_64 : i32 to index
      %swap3A_100 = arith.constant 112 : index
      %swap3A_101 = tpu.vector_load %arg8[%swap3A_99, %swap3A_100] {strides = array<i32>} : memref<128x128xf32, #tpu.memory_space<vmem>>, vector<1x16xf32>,
      %swap3A_102 = vector.shape_cast %swap3A_101 : vector<1x16xf32> to vector<16xf32>
      %swap3A_103 = vector.shape_cast %broadcast_in_dim3A_1 : vector<16xf32> to vector<1x16xf32>
      tpu.vector_store %arg8[%swap3A_99, %swap3A_100], %swap3A_103 {strides = array<i32>} : memref<128x128xf32, #tpu.memory_space<vmem>>, vector<1x16xf32>,
    }
    %scan3A_6 = arith.constant 128 : i32
    %mul3A_7 = arith.constant 624 : i32
    %mul3A_8 = arith.muli %arg1, %mul3A_7 : i32
    %scan3A_9 = arith.constant 0 : i32
    %scan3A_10 = arith.constant 0 : i32
    %scan3A_11 = arith.constant 4 : i32
    %scan3A_12 = arith.addi %scan3A_10, %scan3A_11 : i32
    %scan3A_13 = arith.constant 1 : i32
    scf.for %scan3A_64 = %scan3A_10 to %scan3A_12 step %scan3A_13  : i32 {
      %mul3A_65 = arith.constant 128 : i32
      %mul3A_66 = arith.muli %scan3A_64, %mul3A_65 : i32
      %add3A_67 = arith.addi %mul3A_8, %mul3A_66 : i32
      "tpu.region"() ({
        %run_scoped3A = tpu.sem_alloc : memref<!tpu.dma_semaphore, #tpu.memory_space<semaphore_mem>>
        %dma_start3A_68 = arith.constant 0 : i32
        %dma_start3A_69 = tpu.memref_slice %arg10[%add3A_67, %dma_start3A_68] : memref<10008x128xf32, #tpu.memory_space<vmem_shared>> -> memref<128x128xf32, #tpu.memory_space<vmem_shared>>
        %dma_start3A_70 = arith.constant 0 : i32
        %dma_start3A_71 = tpu.memref_slice %arg10[%add3A_67, %dma_start3A_70] : memref<10008x128xf32, #tpu.memory_space<vmem_shared>> -> memref<128x128xf32, #tpu.memory_space<vmem_shared>>
        tpu.enqueue_dma source(%arg8 : memref<128x128xf32, #tpu.memory_space<vmem>>) target(%dma_start3A_71 : memref<128x128xf32, #tpu.memory_space<vmem_shared>>) target_semaphore(%run_scoped3A : memref<!tpu.dma_semaphore, #tpu.memory_space<semaphore_mem>>)
        %dma_wait3A = arith.constant 0 : i32
        %dma_wait3A_72 = tpu.memref_slice %arg10[%add3A_67, %dma_wait3A] : memref<10008x128xf32, #tpu.memory_space<vmem_shared>> -> memref<128x128xf32, #tpu.memory_space<vmem_shared>>
        %dma_wait3A_73 = arith.constant 0 : i32
        %dma_wait3A_74 = tpu.memref_slice %arg10[%add3A_67, %dma_wait3A_73] : memref<10008x128xf32, #tpu.memory_space<vmem_shared>> -> memref<128x128xf32, #tpu.memory_space<vmem_shared>>
        tpu.wait_dma2 semaphore(%run_scoped3A : memref<!tpu.dma_semaphore, #tpu.memory_space<semaphore_mem>>) src(%arg8 : memref<128x128xf32, #tpu.memory_space<vmem>>) dst(%dma_wait3A_74 : memref<128x128xf32, #tpu.memory_space<vmem_shared>>)
        tpu.yield
      }) : () -> ()
    }
    %scan3A_14 = arith.constant 4 : i32
    %add3A_15 = arith.constant 512 : i32
    %add3A_16 = arith.addi %mul3A_8, %add3A_15 : i32
    "tpu.region"() ({
      %run_scoped3A = tpu.sem_alloc : memref<!tpu.dma_semaphore, #tpu.memory_space<semaphore_mem>>
      %dma_start3A_64 = arith.constant 0 : i32
      %dma_start3A_65 = arith.constant 0 : i32
      %dma_start3A_66 = tpu.memref_slice %arg8[%dma_start3A_64, %dma_start3A_65] : memref<128x128xf32, #tpu.memory_space<vmem>> -> memref<112x128xf32, #tpu.memory_space<vmem>>
      %dma_start3A_67 = arith.constant 0 : i32
      %dma_start3A_68 = tpu.memref_slice %arg10[%add3A_16, %dma_start3A_67] : memref<10008x128xf32, #tpu.memory_space<vmem_shared>> -> memref<112x128xf32, #tpu.memory_space<vmem_shared>>
      %dma_start3A_69 = arith.constant 0 : i32
      %dma_start3A_70 = tpu.memref_slice %arg10[%add3A_16, %dma_start3A_69] : memref<10008x128xf32, #tpu.memory_space<vmem_shared>> -> memref<112x128xf32, #tpu.memory_space<vmem_shared>>
      %dma_start3A_71 = arith.constant 0 : i32
      %dma_start3A_72 = arith.constant 0 : i32
      %dma_start3A_73 = tpu.memref_slice %arg8[%dma_start3A_71, %dma_start3A_72] : memref<128x128xf32, #tpu.memory_space<vmem>> -> memref<112x128xf32, #tpu.memory_space<vmem>>
      tpu.enqueue_dma source(%dma_start3A_73 : memref<112x128xf32, #tpu.memory_space<vmem>>) target(%dma_start3A_70 : memref<112x128xf32, #tpu.memory_space<vmem_shared>>) target_semaphore(%run_scoped3A : memref<!tpu.dma_semaphore, #tpu.memory_space<semaphore_mem>>)
      %dma_wait3A = arith.constant 0 : i32
      %dma_wait3A_74 = arith.constant 0 : i32
      %dma_wait3A_75 = tpu.memref_slice %arg8[%dma_wait3A, %dma_wait3A_74] : memref<128x128xf32, #tpu.memory_space<vmem>> -> memref<112x128xf32, #tpu.memory_space<vmem>>
      %dma_wait3A_76 = arith.constant 0 : i32
      %dma_wait3A_77 = tpu.memref_slice %arg10[%add3A_16, %dma_wait3A_76] : memref<10008x128xf32, #tpu.memory_space<vmem_shared>> -> memref<112x128xf32, #tpu.memory_space<vmem_shared>>
      %dma_wait3A_78 = arith.constant 0 : i32
      %dma_wait3A_79 = tpu.memref_slice %arg10[%add3A_16, %dma_wait3A_78] : memref<10008x128xf32, #tpu.memory_space<vmem_shared>> -> memref<112x128xf32, #tpu.memory_space<vmem_shared>>
      %dma_wait3A_80 = arith.constant 0 : i32
      %dma_wait3A_81 = arith.constant 0 : i32
      %dma_wait3A_82 = tpu.memref_slice %arg8[%dma_wait3A_80, %dma_wait3A_81] : memref<128x128xf32, #tpu.memory_space<vmem>> -> memref<112x128xf32, #tpu.memory_space<vmem>>
      tpu.wait_dma2 semaphore(%run_scoped3A : memref<!tpu.dma_semaphore, #tpu.memory_space<semaphore_mem>>) src(%dma_wait3A_82 : memref<112x128xf32, #tpu.memory_space<vmem>>) dst(%dma_wait3A_79 : memref<112x128xf32, #tpu.memory_space<vmem_shared>>)
      tpu.yield
    }) : () -> ()
    %eq3A = arith.constant 15 : i32
    %eq3A_17 = arith.cmpi eq, %arg1, %eq3A : i32
    %convert_element_type3A = arith.extui %eq3A_17 : i1 to i32
    %cond3A = arith.constant 0 : i32
    %cond3A_18 = arith.cmpi ne, %convert_element_type3A, %cond3A : i32
    scf.if %cond3A_18 {
      "tpu.region"() ({
        %run_scoped3A = tpu.sem_alloc : memref<!tpu.dma_semaphore, #tpu.memory_space<semaphore_mem>>
        %dma_start3A_64 = arith.constant 0 : i32
        %dma_start3A_65 = arith.constant 0 : i32
        %dma_start3A_66 = tpu.memref_slice %arg8[%dma_start3A_64, %dma_start3A_65] : memref<128x128xf32, #tpu.memory_space<vmem>> -> memref<16x128xf32, #tpu.memory_space<vmem>>
        %dma_start3A_67 = arith.constant 9984 : i32
        %dma_start3A_68 = arith.constant 0 : i32
        %dma_start3A_69 = tpu.memref_slice %arg10[%dma_start3A_67, %dma_start3A_68] : memref<10008x128xf32, #tpu.memory_space<vmem_shared>> -> memref<16x128xf32, #tpu.memory_space<vmem_shared>>
        %dma_start3A_70 = arith.constant 9984 : i32
        %dma_start3A_71 = arith.constant 0 : i32
        %dma_start3A_72 = tpu.memref_slice %arg10[%dma_start3A_70, %dma_start3A_71] : memref<10008x128xf32, #tpu.memory_space<vmem_shared>> -> memref<16x128xf32, #tpu.memory_space<vmem_shared>>
        %dma_start3A_73 = arith.constant 0 : i32
        %dma_start3A_74 = arith.constant 0 : i32
        %dma_start3A_75 = tpu.memref_slice %arg8[%dma_start3A_73, %dma_start3A_74] : memref<128x128xf32, #tpu.memory_space<vmem>> -> memref<16x128xf32, #tpu.memory_space<vmem>>
        tpu.enqueue_dma source(%dma_start3A_75 : memref<16x128xf32, #tpu.memory_space<vmem>>) target(%dma_start3A_72 : memref<16x128xf32, #tpu.memory_space<vmem_shared>>) target_semaphore(%run_scoped3A : memref<!tpu.dma_semaphore, #tpu.memory_space<semaphore_mem>>)
        %dma_wait3A = arith.constant 0 : i32
        %dma_wait3A_76 = arith.constant 0 : i32
        %dma_wait3A_77 = tpu.memref_slice %arg8[%dma_wait3A, %dma_wait3A_76] : memref<128x128xf32, #tpu.memory_space<vmem>> -> memref<16x128xf32, #tpu.memory_space<vmem>>
        %dma_wait3A_78 = arith.constant 9984 : i32
        %dma_wait3A_79 = arith.constant 0 : i32
        %dma_wait3A_80 = tpu.memref_slice %arg10[%dma_wait3A_78, %dma_wait3A_79] : memref<10008x128xf32, #tpu.memory_space<vmem_shared>> -> memref<16x128xf32, #tpu.memory_space<vmem_shared>>
        %dma_wait3A_81 = arith.constant 9984 : i32
        %dma_wait3A_82 = arith.constant 0 : i32
        %dma_wait3A_83 = tpu.memref_slice %arg10[%dma_wait3A_81, %dma_wait3A_82] : memref<10008x128xf32, #tpu.memory_space<vmem_shared>> -> memref<16x128xf32, #tpu.memory_space<vmem_shared>>
        %dma_wait3A_84 = arith.constant 0 : i32
        %dma_wait3A_85 = arith.constant 0 : i32
        %dma_wait3A_86 = tpu.memref_slice %arg8[%dma_wait3A_84, %dma_wait3A_85] : memref<128x128xf32, #tpu.memory_space<vmem>> -> memref<16x128xf32, #tpu.memory_space<vmem>>
        tpu.wait_dma2 semaphore(%run_scoped3A : memref<!tpu.dma_semaphore, #tpu.memory_space<semaphore_mem>>) src(%dma_wait3A_86 : memref<16x128xf32, #tpu.memory_space<vmem>>) dst(%dma_wait3A_83 : memref<16x128xf32, #tpu.memory_space<vmem_shared>>)
        tpu.yield
      }) : () -> ()
    } else {
    }
    %barrier3A = arith.constant 0 : index
    tpu.barrier barrier_id(%barrier3A)
    "tpu.region"() ({
      %run_scoped3A = tpu.sem_alloc : memref<!tpu.dma_semaphore, #tpu.memory_space<semaphore_mem>>
      %dma_start3A_64 = arith.constant 0 : i32
      %dma_start3A_65 = arith.constant 0 : i32
      %dma_start3A_66 = tpu.memref_slice %arg3[%add3A, %dma_start3A_64, %dma_start3A_65] : memref<32x80x128xi32, #tpu.memory_space<hbm>> -> memref<1x40x128xi32, #tpu.memory_space<hbm>>
      %dma_start3A_67 = tpu.memref_squeeze %dma_start3A_66 : memref<1x40x128xi32, #tpu.memory_space<hbm>> -> memref<40x128xi32, #tpu.memory_space<hbm>>
      %dma_start3A_68 = arith.constant 0 : i32
      %dma_start3A_69 = arith.constant 0 : i32
      %dma_start3A_70 = tpu.memref_slice %arg3[%add3A, %dma_start3A_68, %dma_start3A_69] : memref<32x80x128xi32, #tpu.memory_space<hbm>> -> memref<1x40x128xi32, #tpu.memory_space<hbm>>
      %dma_start3A_71 = tpu.memref_squeeze %dma_start3A_70 : memref<1x40x128xi32, #tpu.memory_space<hbm>> -> memref<40x128xi32, #tpu.memory_space<hbm>>
      tpu.enqueue_dma source(%dma_start3A_71 : memref<40x128xi32, #tpu.memory_space<hbm>>) target(%arg6 : memref<40x128xi32, #tpu.memory_space<vmem>>) target_semaphore(%run_scoped3A : memref<!tpu.dma_semaphore, #tpu.memory_space<semaphore_mem>>)
      %dma_wait3A = arith.constant 0 : i32
      %dma_wait3A_72 = arith.constant 0 : i32
      %dma_wait3A_73 = tpu.memref_slice %arg3[%add3A, %dma_wait3A, %dma_wait3A_72] : memref<32x80x128xi32, #tpu.memory_space<hbm>> -> memref<1x40x128xi32, #tpu.memory_space<hbm>>
      %dma_wait3A_74 = tpu.memref_squeeze %dma_wait3A_73 : memref<1x40x128xi32, #tpu.memory_space<hbm>> -> memref<40x128xi32, #tpu.memory_space<hbm>>
      %dma_wait3A_75 = arith.constant 0 : i32
      %dma_wait3A_76 = arith.constant 0 : i32
      %dma_wait3A_77 = tpu.memref_slice %arg3[%add3A, %dma_wait3A_75, %dma_wait3A_76] : memref<32x80x128xi32, #tpu.memory_space<hbm>> -> memref<1x40x128xi32, #tpu.memory_space<hbm>>
      %dma_wait3A_78 = tpu.memref_squeeze %dma_wait3A_77 : memref<1x40x128xi32, #tpu.memory_space<hbm>> -> memref<40x128xi32, #tpu.memory_space<hbm>>
      tpu.wait_dma2 semaphore(%run_scoped3A : memref<!tpu.dma_semaphore, #tpu.memory_space<semaphore_mem>>) src(%dma_wait3A_78 : memref<40x128xi32, #tpu.memory_space<hbm>>) dst(%arg6 : memref<40x128xi32, #tpu.memory_space<vmem>>)
      tpu.yield
    }) : () -> ()
    "tpu.region"() ({
      %run_scoped3A = tpu.sem_alloc : memref<!tpu.dma_semaphore, #tpu.memory_space<semaphore_mem>>
      %dma_start3A_64 = arith.constant 0 : i32
      %dma_start3A_65 = arith.constant 0 : i32
      %dma_start3A_66 = tpu.memref_slice %arg4[%add3A, %dma_start3A_64, %dma_start3A_65] : memref<32x80x128xi32, #tpu.memory_space<hbm>> -> memref<1x40x128xi32, #tpu.memory_space<hbm>>
      %dma_start3A_67 = tpu.memref_squeeze %dma_start3A_66 : memref<1x40x128xi32, #tpu.memory_space<hbm>> -> memref<40x128xi32, #tpu.memory_space<hbm>>
      %dma_start3A_68 = arith.constant 0 : i32
      %dma_start3A_69 = arith.constant 0 : i32
      %dma_start3A_70 = tpu.memref_slice %arg4[%add3A, %dma_start3A_68, %dma_start3A_69] : memref<32x80x128xi32, #tpu.memory_space<hbm>> -> memref<1x40x128xi32, #tpu.memory_space<hbm>>
      %dma_start3A_71 = tpu.memref_squeeze %dma_start3A_70 : memref<1x40x128xi32, #tpu.memory_space<hbm>> -> memref<40x128xi32, #tpu.memory_space<hbm>>
      tpu.enqueue_dma source(%dma_start3A_71 : memref<40x128xi32, #tpu.memory_space<hbm>>) target(%arg7 : memref<40x128xi32, #tpu.memory_space<vmem>>) target_semaphore(%run_scoped3A : memref<!tpu.dma_semaphore, #tpu.memory_space<semaphore_mem>>)
      %dma_wait3A = arith.constant 0 : i32
      %dma_wait3A_72 = arith.constant 0 : i32
      %dma_wait3A_73 = tpu.memref_slice %arg4[%add3A, %dma_wait3A, %dma_wait3A_72] : memref<32x80x128xi32, #tpu.memory_space<hbm>> -> memref<1x40x128xi32, #tpu.memory_space<hbm>>
      %dma_wait3A_74 = tpu.memref_squeeze %dma_wait3A_73 : memref<1x40x128xi32, #tpu.memory_space<hbm>> -> memref<40x128xi32, #tpu.memory_space<hbm>>
      %dma_wait3A_75 = arith.constant 0 : i32
      %dma_wait3A_76 = arith.constant 0 : i32
      %dma_wait3A_77 = tpu.memref_slice %arg4[%add3A, %dma_wait3A_75, %dma_wait3A_76] : memref<32x80x128xi32, #tpu.memory_space<hbm>> -> memref<1x40x128xi32, #tpu.memory_space<hbm>>
      %dma_wait3A_78 = tpu.memref_squeeze %dma_wait3A_77 : memref<1x40x128xi32, #tpu.memory_space<hbm>> -> memref<40x128xi32, #tpu.memory_space<hbm>>
      tpu.wait_dma2 semaphore(%run_scoped3A : memref<!tpu.dma_semaphore, #tpu.memory_space<semaphore_mem>>) src(%dma_wait3A_78 : memref<40x128xi32, #tpu.memory_space<hbm>>) dst(%arg7 : memref<40x128xi32, #tpu.memory_space<vmem>>)
      tpu.yield
    }) : () -> ()
    %dma_start3A = arith.constant 0 : i32
    %dma_start3A_19 = arith.constant 0 : i32
    %dma_start3A_20 = tpu.memref_slice %arg6[%dma_start3A, %dma_start3A_19] : memref<40x128xi32, #tpu.memory_space<vmem>> -> memref<1x128xi32, #tpu.memory_space<vmem>>
    %dma_start3A_21 = tpu.memref_squeeze %dma_start3A_20 : memref<1x128xi32, #tpu.memory_space<vmem>> -> memref<128xi32, #tpu.memory_space<vmem>>
    %dma_start3A_22 = arith.constant 0 : i32
    %dma_start3A_23 = arith.constant 0 : i32
    %dma_start3A_24 = tpu.memref_slice %arg2[%dma_start3A_22, %dma_start3A_23] : memref<10000x128xf32, #tpu.memory_space<hbm>> -> memref<10000x128xf32, #tpu.memory_space<hbm>>
    tpu.enqueue_indirect_dma source(%dma_start3A_24 : memref<10000x128xf32, #tpu.memory_space<hbm>>) target(%arg8 : memref<128x128xf32, #tpu.memory_space<vmem>>) offsets(%dma_start3A_21 : memref<128xi32, #tpu.memory_space<vmem>>) semaphore(%arg11 : memref<!tpu.dma_semaphore, #tpu.memory_space<semaphore_mem>>)
    %dma_start3A_25 = arith.constant 1 : i32
    %dma_start3A_26 = arith.constant 0 : i32
    %dma_start3A_27 = tpu.memref_slice %arg6[%dma_start3A_25, %dma_start3A_26] : memref<40x128xi32, #tpu.memory_space<vmem>> -> memref<1x128xi32, #tpu.memory_space<vmem>>
    %dma_start3A_28 = tpu.memref_squeeze %dma_start3A_27 : memref<1x128xi32, #tpu.memory_space<vmem>> -> memref<128xi32, #tpu.memory_space<vmem>>
    %dma_start3A_29 = arith.constant 0 : i32
    %dma_start3A_30 = arith.constant 0 : i32
    %dma_start3A_31 = tpu.memref_slice %arg2[%dma_start3A_29, %dma_start3A_30] : memref<10000x128xf32, #tpu.memory_space<hbm>> -> memref<10000x128xf32, #tpu.memory_space<hbm>>
    tpu.enqueue_indirect_dma source(%dma_start3A_31 : memref<10000x128xf32, #tpu.memory_space<hbm>>) target(%arg9 : memref<128x128xf32, #tpu.memory_space<vmem>>) offsets(%dma_start3A_28 : memref<128xi32, #tpu.memory_space<vmem>>) semaphore(%arg12 : memref<!tpu.dma_semaphore, #tpu.memory_space<semaphore_mem>>)
    %scan3A_32 = arith.constant 0 : i32
    %scan3A_33 = arith.constant 0 : i32
    %scan3A_34 = arith.constant 20 : i32
    %scan3A_35 = arith.addi %scan3A_33, %scan3A_34 : i32
    %scan3A_36 = arith.constant 1 : i32
    scf.for %scan3A_64 = %scan3A_33 to %scan3A_35 step %scan3A_36  : i32 {
      %mul3A_65 = arith.constant 2 : i32
      %mul3A_66 = arith.muli %scan3A_64, %mul3A_65 : i32
      %add3A_67 = arith.constant 0 : i32
      %add3A_68 = arith.addi %mul3A_66, %add3A_67 : i32
      %dma_wait3A = arith.constant 0 : i32
      %dma_wait3A_69 = tpu.memref_slice %arg6[%add3A_68, %dma_wait3A] : memref<40x128xi32, #tpu.memory_space<vmem>> -> memref<1x128xi32, #tpu.memory_space<vmem>>
      %dma_wait3A_70 = tpu.memref_squeeze %dma_wait3A_69 : memref<1x128xi32, #tpu.memory_space<vmem>> -> memref<128xi32, #tpu.memory_space<vmem>>
      %dma_wait3A_71 = arith.constant 0 : i32
      %dma_wait3A_72 = arith.constant 0 : i32
      %dma_wait3A_73 = tpu.memref_slice %arg2[%dma_wait3A_71, %dma_wait3A_72] : memref<10000x128xf32, #tpu.memory_space<hbm>> -> memref<10000x128xf32, #tpu.memory_space<hbm>>
      tpu.wait_indirect_dma semaphore(%arg11 : memref<!tpu.dma_semaphore, #tpu.memory_space<semaphore_mem>>) src(%dma_wait3A_73 : memref<10000x128xf32, #tpu.memory_space<hbm>>) dst(%arg8 : memref<128x128xf32, #tpu.memory_space<vmem>>)
      "tpu.region"() ({
        %run_scoped3A = tpu.sem_alloc : memref<!tpu.dma_semaphore, #tpu.memory_space<semaphore_mem>>
        %dma_start3A_91 = arith.constant 0 : i32
        %dma_start3A_92 = tpu.memref_slice %arg7[%add3A_68, %dma_start3A_91] : memref<40x128xi32, #tpu.memory_space<vmem>> -> memref<1x128xi32, #tpu.memory_space<vmem>>
        %dma_start3A_93 = tpu.memref_squeeze %dma_start3A_92 : memref<1x128xi32, #tpu.memory_space<vmem>> -> memref<128xi32, #tpu.memory_space<vmem>>
        %dma_start3A_94 = arith.constant 0 : i32
        %dma_start3A_95 = arith.constant 0 : i32
        %dma_start3A_96 = tpu.memref_slice %arg10[%dma_start3A_94, %dma_start3A_95] : memref<10008x128xf32, #tpu.memory_space<vmem_shared>> -> memref<10008x128xf32, #tpu.memory_space<vmem_shared>>
        tpu.enqueue_indirect_dma source(%arg8 : memref<128x128xf32, #tpu.memory_space<vmem>>) target(%dma_start3A_96 : memref<10008x128xf32, #tpu.memory_space<vmem_shared>>) offsets(%dma_start3A_93 : memref<128xi32, #tpu.memory_space<vmem>>) semaphore(%run_scoped3A : memref<!tpu.dma_semaphore, #tpu.memory_space<semaphore_mem>>) {add = true}
        %dma_wait3A_97 = arith.constant 0 : i32
        %dma_wait3A_98 = tpu.memref_slice %arg7[%add3A_68, %dma_wait3A_97] : memref<40x128xi32, #tpu.memory_space<vmem>> -> memref<1x128xi32, #tpu.memory_space<vmem>>
        %dma_wait3A_99 = tpu.memref_squeeze %dma_wait3A_98 : memref<1x128xi32, #tpu.memory_space<vmem>> -> memref<128xi32, #tpu.memory_space<vmem>>
        %dma_wait3A_100 = arith.constant 0 : i32
        %dma_wait3A_101 = arith.constant 0 : i32
        %dma_wait3A_102 = tpu.memref_slice %arg10[%dma_wait3A_100, %dma_wait3A_101] : memref<10008x128xf32, #tpu.memory_space<vmem_shared>> -> memref<10008x128xf32, #tpu.memory_space<vmem_shared>>
        tpu.wait_indirect_dma semaphore(%run_scoped3A : memref<!tpu.dma_semaphore, #tpu.memory_space<semaphore_mem>>) src(%arg8 : memref<128x128xf32, #tpu.memory_space<vmem>>) dst(%dma_wait3A_102 : memref<10008x128xf32, #tpu.memory_space<vmem_shared>>)
        tpu.yield
      }) : () -> ()
      %lt3A = arith.constant 19 : i32
      %lt3A_74 = arith.cmpi slt, %scan3A_64, %lt3A : i32
      %convert_element_type3A_75 = arith.extui %lt3A_74 : i1 to i32
      %cond3A_76 = arith.constant 0 : i32
      %cond3A_77 = arith.cmpi ne, %convert_element_type3A_75, %cond3A_76 : i32
      scf.if %cond3A_77 {
        %add3A_91 = arith.constant 2 : i32
        %add3A_92 = arith.addi %add3A_68, %add3A_91 : i32
        %dma_start3A_93 = arith.constant 0 : i32
        %dma_start3A_94 = tpu.memref_slice %arg6[%add3A_92, %dma_start3A_93] : memref<40x128xi32, #tpu.memory_space<vmem>> -> memref<1x128xi32, #tpu.memory_space<vmem>>
        %dma_start3A_95 = tpu.memref_squeeze %dma_start3A_94 : memref<1x128xi32, #tpu.memory_space<vmem>> -> memref<128xi32, #tpu.memory_space<vmem>>
        %dma_start3A_96 = arith.constant 0 : i32
        %dma_start3A_97 = arith.constant 0 : i32
        %dma_start3A_98 = tpu.memref_slice %arg2[%dma_start3A_96, %dma_start3A_97] : memref<10000x128xf32, #tpu.memory_space<hbm>> -> memref<10000x128xf32, #tpu.memory_space<hbm>>
        tpu.enqueue_indirect_dma source(%dma_start3A_98 : memref<10000x128xf32, #tpu.memory_space<hbm>>) target(%arg8 : memref<128x128xf32, #tpu.memory_space<vmem>>) offsets(%dma_start3A_95 : memref<128xi32, #tpu.memory_space<vmem>>) semaphore(%arg11 : memref<!tpu.dma_semaphore, #tpu.memory_space<semaphore_mem>>)
      } else {
      }
      %add3A_78 = arith.constant 1 : i32
      %add3A_79 = arith.addi %mul3A_66, %add3A_78 : i32
      %dma_wait3A_80 = arith.constant 0 : i32
      %dma_wait3A_81 = tpu.memref_slice %arg6[%add3A_79, %dma_wait3A_80] : memref<40x128xi32, #tpu.memory_space<vmem>> -> memref<1x128xi32, #tpu.memory_space<vmem>>
      %dma_wait3A_82 = tpu.memref_squeeze %dma_wait3A_81 : memref<1x128xi32, #tpu.memory_space<vmem>> -> memref<128xi32, #tpu.memory_space<vmem>>
      %dma_wait3A_83 = arith.constant 0 : i32
      %dma_wait3A_84 = arith.constant 0 : i32
      %dma_wait3A_85 = tpu.memref_slice %arg2[%dma_wait3A_83, %dma_wait3A_84] : memref<10000x128xf32, #tpu.memory_space<hbm>> -> memref<10000x128xf32, #tpu.memory_space<hbm>>
      tpu.wait_indirect_dma semaphore(%arg12 : memref<!tpu.dma_semaphore, #tpu.memory_space<semaphore_mem>>) src(%dma_wait3A_85 : memref<10000x128xf32, #tpu.memory_space<hbm>>) dst(%arg9 : memref<128x128xf32, #tpu.memory_space<vmem>>)
      "tpu.region"() ({
        %run_scoped3A = tpu.sem_alloc : memref<!tpu.dma_semaphore, #tpu.memory_space<semaphore_mem>>
        %dma_start3A_91 = arith.constant 0 : i32
        %dma_start3A_92 = tpu.memref_slice %arg7[%add3A_79, %dma_start3A_91] : memref<40x128xi32, #tpu.memory_space<vmem>> -> memref<1x128xi32, #tpu.memory_space<vmem>>
        %dma_start3A_93 = tpu.memref_squeeze %dma_start3A_92 : memref<1x128xi32, #tpu.memory_space<vmem>> -> memref<128xi32, #tpu.memory_space<vmem>>
        %dma_start3A_94 = arith.constant 0 : i32
        %dma_start3A_95 = arith.constant 0 : i32
        %dma_start3A_96 = tpu.memref_slice %arg10[%dma_start3A_94, %dma_start3A_95] : memref<10008x128xf32, #tpu.memory_space<vmem_shared>> -> memref<10008x128xf32, #tpu.memory_space<vmem_shared>>
        tpu.enqueue_indirect_dma source(%arg9 : memref<128x128xf32, #tpu.memory_space<vmem>>) target(%dma_start3A_96 : memref<10008x128xf32, #tpu.memory_space<vmem_shared>>) offsets(%dma_start3A_93 : memref<128xi32, #tpu.memory_space<vmem>>) semaphore(%run_scoped3A : memref<!tpu.dma_semaphore, #tpu.memory_space<semaphore_mem>>) {add = true}
        %dma_wait3A_97 = arith.constant 0 : i32
        %dma_wait3A_98 = tpu.memref_slice %arg7[%add3A_79, %dma_wait3A_97] : memref<40x128xi32, #tpu.memory_space<vmem>> -> memref<1x128xi32, #tpu.memory_space<vmem>>
        %dma_wait3A_99 = tpu.memref_squeeze %dma_wait3A_98 : memref<1x128xi32, #tpu.memory_space<vmem>> -> memref<128xi32, #tpu.memory_space<vmem>>
        %dma_wait3A_100 = arith.constant 0 : i32
        %dma_wait3A_101 = arith.constant 0 : i32
        %dma_wait3A_102 = tpu.memref_slice %arg10[%dma_wait3A_100, %dma_wait3A_101] : memref<10008x128xf32, #tpu.memory_space<vmem_shared>> -> memref<10008x128xf32, #tpu.memory_space<vmem_shared>>
        tpu.wait_indirect_dma semaphore(%run_scoped3A : memref<!tpu.dma_semaphore, #tpu.memory_space<semaphore_mem>>) src(%arg9 : memref<128x128xf32, #tpu.memory_space<vmem>>) dst(%dma_wait3A_102 : memref<10008x128xf32, #tpu.memory_space<vmem_shared>>)
        tpu.yield
      }) : () -> ()
      %lt3A_86 = arith.constant 19 : i32
      %lt3A_87 = arith.cmpi slt, %scan3A_64, %lt3A_86 : i32
      %convert_element_type3A_88 = arith.extui %lt3A_87 : i1 to i32
      %cond3A_89 = arith.constant 0 : i32
      %cond3A_90 = arith.cmpi ne, %convert_element_type3A_88, %cond3A_89 : i32
      scf.if %cond3A_90 {
        %add3A_91 = arith.constant 2 : i32
        %add3A_92 = arith.addi %add3A_79, %add3A_91 : i32
        %dma_start3A_93 = arith.constant 0 : i32
        %dma_start3A_94 = tpu.memref_slice %arg6[%add3A_92, %dma_start3A_93] : memref<40x128xi32, #tpu.memory_space<vmem>> -> memref<1x128xi32, #tpu.memory_space<vmem>>
        %dma_start3A_95 = tpu.memref_squeeze %dma_start3A_94 : memref<1x128xi32, #tpu.memory_space<vmem>> -> memref<128xi32, #tpu.memory_space<vmem>>
        %dma_start3A_96 = arith.constant 0 : i32
        %dma_start3A_97 = arith.constant 0 : i32
        %dma_start3A_98 = tpu.memref_slice %arg2[%dma_start3A_96, %dma_start3A_97] : memref<10000x128xf32, #tpu.memory_space<hbm>> -> memref<10000x128xf32, #tpu.memory_space<hbm>>
        tpu.enqueue_indirect_dma source(%dma_start3A_98 : memref<10000x128xf32, #tpu.memory_space<hbm>>) target(%arg9 : memref<128x128xf32, #tpu.memory_space<vmem>>) offsets(%dma_start3A_95 : memref<128xi32, #tpu.memory_space<vmem>>) semaphore(%arg12 : memref<!tpu.dma_semaphore, #tpu.memory_space<semaphore_mem>>)
      } else {
      }
    }
    %scan3A_37 = arith.constant 20 : i32
    "tpu.region"() ({
      %run_scoped3A = tpu.sem_alloc : memref<!tpu.dma_semaphore, #tpu.memory_space<semaphore_mem>>
      %dma_start3A_64 = arith.constant 40 : i32
      %dma_start3A_65 = arith.constant 0 : i32
      %dma_start3A_66 = tpu.memref_slice %arg3[%add3A, %dma_start3A_64, %dma_start3A_65] : memref<32x80x128xi32, #tpu.memory_space<hbm>> -> memref<1x40x128xi32, #tpu.memory_space<hbm>>
      %dma_start3A_67 = tpu.memref_squeeze %dma_start3A_66 : memref<1x40x128xi32, #tpu.memory_space<hbm>> -> memref<40x128xi32, #tpu.memory_space<hbm>>
      %dma_start3A_68 = arith.constant 40 : i32
      %dma_start3A_69 = arith.constant 0 : i32
      %dma_start3A_70 = tpu.memref_slice %arg3[%add3A, %dma_start3A_68, %dma_start3A_69] : memref<32x80x128xi32, #tpu.memory_space<hbm>> -> memref<1x40x128xi32, #tpu.memory_space<hbm>>
      %dma_start3A_71 = tpu.memref_squeeze %dma_start3A_70 : memref<1x40x128xi32, #tpu.memory_space<hbm>> -> memref<40x128xi32, #tpu.memory_space<hbm>>
      tpu.enqueue_dma source(%dma_start3A_71 : memref<40x128xi32, #tpu.memory_space<hbm>>) target(%arg6 : memref<40x128xi32, #tpu.memory_space<vmem>>) target_semaphore(%run_scoped3A : memref<!tpu.dma_semaphore, #tpu.memory_space<semaphore_mem>>)
      %dma_wait3A = arith.constant 40 : i32
      %dma_wait3A_72 = arith.constant 0 : i32
      %dma_wait3A_73 = tpu.memref_slice %arg3[%add3A, %dma_wait3A, %dma_wait3A_72] : memref<32x80x128xi32, #tpu.memory_space<hbm>> -> memref<1x40x128xi32, #tpu.memory_space<hbm>>
      %dma_wait3A_74 = tpu.memref_squeeze %dma_wait3A_73 : memref<1x40x128xi32, #tpu.memory_space<hbm>> -> memref<40x128xi32, #tpu.memory_space<hbm>>
      %dma_wait3A_75 = arith.constant 40 : i32
      %dma_wait3A_76 = arith.constant 0 : i32
      %dma_wait3A_77 = tpu.memref_slice %arg3[%add3A, %dma_wait3A_75, %dma_wait3A_76] : memref<32x80x128xi32, #tpu.memory_space<hbm>> -> memref<1x40x128xi32, #tpu.memory_space<hbm>>
      %dma_wait3A_78 = tpu.memref_squeeze %dma_wait3A_77 : memref<1x40x128xi32, #tpu.memory_space<hbm>> -> memref<40x128xi32, #tpu.memory_space<hbm>>
      tpu.wait_dma2 semaphore(%run_scoped3A : memref<!tpu.dma_semaphore, #tpu.memory_space<semaphore_mem>>) src(%dma_wait3A_78 : memref<40x128xi32, #tpu.memory_space<hbm>>) dst(%arg6 : memref<40x128xi32, #tpu.memory_space<vmem>>)
      tpu.yield
    }) : () -> ()
    "tpu.region"() ({
      %run_scoped3A = tpu.sem_alloc : memref<!tpu.dma_semaphore, #tpu.memory_space<semaphore_mem>>
      %dma_start3A_64 = arith.constant 40 : i32
      %dma_start3A_65 = arith.constant 0 : i32
      %dma_start3A_66 = tpu.memref_slice %arg4[%add3A, %dma_start3A_64, %dma_start3A_65] : memref<32x80x128xi32, #tpu.memory_space<hbm>> -> memref<1x40x128xi32, #tpu.memory_space<hbm>>
      %dma_start3A_67 = tpu.memref_squeeze %dma_start3A_66 : memref<1x40x128xi32, #tpu.memory_space<hbm>> -> memref<40x128xi32, #tpu.memory_space<hbm>>
      %dma_start3A_68 = arith.constant 40 : i32
      %dma_start3A_69 = arith.constant 0 : i32
      %dma_start3A_70 = tpu.memref_slice %arg4[%add3A, %dma_start3A_68, %dma_start3A_69] : memref<32x80x128xi32, #tpu.memory_space<hbm>> -> memref<1x40x128xi32, #tpu.memory_space<hbm>>
      %dma_start3A_71 = tpu.memref_squeeze %dma_start3A_70 : memref<1x40x128xi32, #tpu.memory_space<hbm>> -> memref<40x128xi32, #tpu.memory_space<hbm>>
      tpu.enqueue_dma source(%dma_start3A_71 : memref<40x128xi32, #tpu.memory_space<hbm>>) target(%arg7 : memref<40x128xi32, #tpu.memory_space<vmem>>) target_semaphore(%run_scoped3A : memref<!tpu.dma_semaphore, #tpu.memory_space<semaphore_mem>>)
      %dma_wait3A = arith.constant 40 : i32
      %dma_wait3A_72 = arith.constant 0 : i32
      %dma_wait3A_73 = tpu.memref_slice %arg4[%add3A, %dma_wait3A, %dma_wait3A_72] : memref<32x80x128xi32, #tpu.memory_space<hbm>> -> memref<1x40x128xi32, #tpu.memory_space<hbm>>
      %dma_wait3A_74 = tpu.memref_squeeze %dma_wait3A_73 : memref<1x40x128xi32, #tpu.memory_space<hbm>> -> memref<40x128xi32, #tpu.memory_space<hbm>>
      %dma_wait3A_75 = arith.constant 40 : i32
      %dma_wait3A_76 = arith.constant 0 : i32
      %dma_wait3A_77 = tpu.memref_slice %arg4[%add3A, %dma_wait3A_75, %dma_wait3A_76] : memref<32x80x128xi32, #tpu.memory_space<hbm>> -> memref<1x40x128xi32, #tpu.memory_space<hbm>>
      %dma_wait3A_78 = tpu.memref_squeeze %dma_wait3A_77 : memref<1x40x128xi32, #tpu.memory_space<hbm>> -> memref<40x128xi32, #tpu.memory_space<hbm>>
      tpu.wait_dma2 semaphore(%run_scoped3A : memref<!tpu.dma_semaphore, #tpu.memory_space<semaphore_mem>>) src(%dma_wait3A_78 : memref<40x128xi32, #tpu.memory_space<hbm>>) dst(%arg7 : memref<40x128xi32, #tpu.memory_space<vmem>>)
      tpu.yield
    }) : () -> ()
    %dma_start3A_38 = arith.constant 0 : i32
    %dma_start3A_39 = arith.constant 0 : i32
    %dma_start3A_40 = tpu.memref_slice %arg6[%dma_start3A_38, %dma_start3A_39] : memref<40x128xi32, #tpu.memory_space<vmem>> -> memref<1x128xi32, #tpu.memory_space<vmem>>
    %dma_start3A_41 = tpu.memref_squeeze %dma_start3A_40 : memref<1x128xi32, #tpu.memory_space<vmem>> -> memref<128xi32, #tpu.memory_space<vmem>>
    %dma_start3A_42 = arith.constant 0 : i32
    %dma_start3A_43 = arith.constant 0 : i32
    %dma_start3A_44 = tpu.memref_slice %arg2[%dma_start3A_42, %dma_start3A_43] : memref<10000x128xf32, #tpu.memory_space<hbm>> -> memref<10000x128xf32, #tpu.memory_space<hbm>>
    tpu.enqueue_indirect_dma source(%dma_start3A_44 : memref<10000x128xf32, #tpu.memory_space<hbm>>) target(%arg8 : memref<128x128xf32, #tpu.memory_space<vmem>>) offsets(%dma_start3A_41 : memref<128xi32, #tpu.memory_space<vmem>>) semaphore(%arg11 : memref<!tpu.dma_semaphore, #tpu.memory_space<semaphore_mem>>)
    %dma_start3A_45 = arith.constant 1 : i32
    %dma_start3A_46 = arith.constant 0 : i32
    %dma_start3A_47 = tpu.memref_slice %arg6[%dma_start3A_45, %dma_start3A_46] : memref<40x128xi32, #tpu.memory_space<vmem>> -> memref<1x128xi32, #tpu.memory_space<vmem>>
    %dma_start3A_48 = tpu.memref_squeeze %dma_start3A_47 : memref<1x128xi32, #tpu.memory_space<vmem>> -> memref<128xi32, #tpu.memory_space<vmem>>
    %dma_start3A_49 = arith.constant 0 : i32
    %dma_start3A_50 = arith.constant 0 : i32
    %dma_start3A_51 = tpu.memref_slice %arg2[%dma_start3A_49, %dma_start3A_50] : memref<10000x128xf32, #tpu.memory_space<hbm>> -> memref<10000x128xf32, #tpu.memory_space<hbm>>
    tpu.enqueue_indirect_dma source(%dma_start3A_51 : memref<10000x128xf32, #tpu.memory_space<hbm>>) target(%arg9 : memref<128x128xf32, #tpu.memory_space<vmem>>) offsets(%dma_start3A_48 : memref<128xi32, #tpu.memory_space<vmem>>) semaphore(%arg12 : memref<!tpu.dma_semaphore, #tpu.memory_space<semaphore_mem>>)
    %scan3A_52 = arith.constant 0 : i32
    %scan3A_53 = arith.constant 0 : i32
    %scan3A_54 = arith.constant 20 : i32
    %scan3A_55 = arith.addi %scan3A_53, %scan3A_54 : i32
    %scan3A_56 = arith.constant 1 : i32
    scf.for %scan3A_64 = %scan3A_53 to %scan3A_55 step %scan3A_56  : i32 {
      %mul3A_65 = arith.constant 2 : i32
      %mul3A_66 = arith.muli %scan3A_64, %mul3A_65 : i32
      %add3A_67 = arith.constant 0 : i32
      %add3A_68 = arith.addi %mul3A_66, %add3A_67 : i32
      %dma_wait3A = arith.constant 0 : i32
      %dma_wait3A_69 = tpu.memref_slice %arg6[%add3A_68, %dma_wait3A] : memref<40x128xi32, #tpu.memory_space<vmem>> -> memref<1x128xi32, #tpu.memory_space<vmem>>
      %dma_wait3A_70 = tpu.memref_squeeze %dma_wait3A_69 : memref<1x128xi32, #tpu.memory_space<vmem>> -> memref<128xi32, #tpu.memory_space<vmem>>
      %dma_wait3A_71 = arith.constant 0 : i32
      %dma_wait3A_72 = arith.constant 0 : i32
      %dma_wait3A_73 = tpu.memref_slice %arg2[%dma_wait3A_71, %dma_wait3A_72] : memref<10000x128xf32, #tpu.memory_space<hbm>> -> memref<10000x128xf32, #tpu.memory_space<hbm>>
      tpu.wait_indirect_dma semaphore(%arg11 : memref<!tpu.dma_semaphore, #tpu.memory_space<semaphore_mem>>) src(%dma_wait3A_73 : memref<10000x128xf32, #tpu.memory_space<hbm>>) dst(%arg8 : memref<128x128xf32, #tpu.memory_space<vmem>>)
      "tpu.region"() ({
        %run_scoped3A = tpu.sem_alloc : memref<!tpu.dma_semaphore, #tpu.memory_space<semaphore_mem>>
        %dma_start3A_91 = arith.constant 0 : i32
        %dma_start3A_92 = tpu.memref_slice %arg7[%add3A_68, %dma_start3A_91] : memref<40x128xi32, #tpu.memory_space<vmem>> -> memref<1x128xi32, #tpu.memory_space<vmem>>
        %dma_start3A_93 = tpu.memref_squeeze %dma_start3A_92 : memref<1x128xi32, #tpu.memory_space<vmem>> -> memref<128xi32, #tpu.memory_space<vmem>>
        %dma_start3A_94 = arith.constant 0 : i32
        %dma_start3A_95 = arith.constant 0 : i32
        %dma_start3A_96 = tpu.memref_slice %arg10[%dma_start3A_94, %dma_start3A_95] : memref<10008x128xf32, #tpu.memory_space<vmem_shared>> -> memref<10008x128xf32, #tpu.memory_space<vmem_shared>>
        tpu.enqueue_indirect_dma source(%arg8 : memref<128x128xf32, #tpu.memory_space<vmem>>) target(%dma_start3A_96 : memref<10008x128xf32, #tpu.memory_space<vmem_shared>>) offsets(%dma_start3A_93 : memref<128xi32, #tpu.memory_space<vmem>>) semaphore(%run_scoped3A : memref<!tpu.dma_semaphore, #tpu.memory_space<semaphore_mem>>) {add = true}
        %dma_wait3A_97 = arith.constant 0 : i32
        %dma_wait3A_98 = tpu.memref_slice %arg7[%add3A_68, %dma_wait3A_97] : memref<40x128xi32, #tpu.memory_space<vmem>> -> memref<1x128xi32, #tpu.memory_space<vmem>>
        %dma_wait3A_99 = tpu.memref_squeeze %dma_wait3A_98 : memref<1x128xi32, #tpu.memory_space<vmem>> -> memref<128xi32, #tpu.memory_space<vmem>>
        %dma_wait3A_100 = arith.constant 0 : i32
        %dma_wait3A_101 = arith.constant 0 : i32
        %dma_wait3A_102 = tpu.memref_slice %arg10[%dma_wait3A_100, %dma_wait3A_101] : memref<10008x128xf32, #tpu.memory_space<vmem_shared>> -> memref<10008x128xf32, #tpu.memory_space<vmem_shared>>
        tpu.wait_indirect_dma semaphore(%run_scoped3A : memref<!tpu.dma_semaphore, #tpu.memory_space<semaphore_mem>>) src(%arg8 : memref<128x128xf32, #tpu.memory_space<vmem>>) dst(%dma_wait3A_102 : memref<10008x128xf32, #tpu.memory_space<vmem_shared>>)
        tpu.yield
      }) : () -> ()
      %lt3A = arith.constant 19 : i32
      %lt3A_74 = arith.cmpi slt, %scan3A_64, %lt3A : i32
      %convert_element_type3A_75 = arith.extui %lt3A_74 : i1 to i32
      %cond3A_76 = arith.constant 0 : i32
      %cond3A_77 = arith.cmpi ne, %convert_element_type3A_75, %cond3A_76 : i32
      scf.if %cond3A_77 {
        %add3A_91 = arith.constant 2 : i32
        %add3A_92 = arith.addi %add3A_68, %add3A_91 : i32
        %dma_start3A_93 = arith.constant 0 : i32
        %dma_start3A_94 = tpu.memref_slice %arg6[%add3A_92, %dma_start3A_93] : memref<40x128xi32, #tpu.memory_space<vmem>> -> memref<1x128xi32, #tpu.memory_space<vmem>>
        %dma_start3A_95 = tpu.memref_squeeze %dma_start3A_94 : memref<1x128xi32, #tpu.memory_space<vmem>> -> memref<128xi32, #tpu.memory_space<vmem>>
        %dma_start3A_96 = arith.constant 0 : i32
        %dma_start3A_97 = arith.constant 0 : i32
        %dma_start3A_98 = tpu.memref_slice %arg2[%dma_start3A_96, %dma_start3A_97] : memref<10000x128xf32, #tpu.memory_space<hbm>> -> memref<10000x128xf32, #tpu.memory_space<hbm>>
        tpu.enqueue_indirect_dma source(%dma_start3A_98 : memref<10000x128xf32, #tpu.memory_space<hbm>>) target(%arg8 : memref<128x128xf32, #tpu.memory_space<vmem>>) offsets(%dma_start3A_95 : memref<128xi32, #tpu.memory_space<vmem>>) semaphore(%arg11 : memref<!tpu.dma_semaphore, #tpu.memory_space<semaphore_mem>>)
      } else {
      }
      %add3A_78 = arith.constant 1 : i32
      %add3A_79 = arith.addi %mul3A_66, %add3A_78 : i32
      %dma_wait3A_80 = arith.constant 0 : i32
      %dma_wait3A_81 = tpu.memref_slice %arg6[%add3A_79, %dma_wait3A_80] : memref<40x128xi32, #tpu.memory_space<vmem>> -> memref<1x128xi32, #tpu.memory_space<vmem>>
      %dma_wait3A_82 = tpu.memref_squeeze %dma_wait3A_81 : memref<1x128xi32, #tpu.memory_space<vmem>> -> memref<128xi32, #tpu.memory_space<vmem>>
      %dma_wait3A_83 = arith.constant 0 : i32
      %dma_wait3A_84 = arith.constant 0 : i32
      %dma_wait3A_85 = tpu.memref_slice %arg2[%dma_wait3A_83, %dma_wait3A_84] : memref<10000x128xf32, #tpu.memory_space<hbm>> -> memref<10000x128xf32, #tpu.memory_space<hbm>>
      tpu.wait_indirect_dma semaphore(%arg12 : memref<!tpu.dma_semaphore, #tpu.memory_space<semaphore_mem>>) src(%dma_wait3A_85 : memref<10000x128xf32, #tpu.memory_space<hbm>>) dst(%arg9 : memref<128x128xf32, #tpu.memory_space<vmem>>)
      "tpu.region"() ({
        %run_scoped3A = tpu.sem_alloc : memref<!tpu.dma_semaphore, #tpu.memory_space<semaphore_mem>>
        %dma_start3A_91 = arith.constant 0 : i32
        %dma_start3A_92 = tpu.memref_slice %arg7[%add3A_79, %dma_start3A_91] : memref<40x128xi32, #tpu.memory_space<vmem>> -> memref<1x128xi32, #tpu.memory_space<vmem>>
        %dma_start3A_93 = tpu.memref_squeeze %dma_start3A_92 : memref<1x128xi32, #tpu.memory_space<vmem>> -> memref<128xi32, #tpu.memory_space<vmem>>
        %dma_start3A_94 = arith.constant 0 : i32
        %dma_start3A_95 = arith.constant 0 : i32
        %dma_start3A_96 = tpu.memref_slice %arg10[%dma_start3A_94, %dma_start3A_95] : memref<10008x128xf32, #tpu.memory_space<vmem_shared>> -> memref<10008x128xf32, #tpu.memory_space<vmem_shared>>
        tpu.enqueue_indirect_dma source(%arg9 : memref<128x128xf32, #tpu.memory_space<vmem>>) target(%dma_start3A_96 : memref<10008x128xf32, #tpu.memory_space<vmem_shared>>) offsets(%dma_start3A_93 : memref<128xi32, #tpu.memory_space<vmem>>) semaphore(%run_scoped3A : memref<!tpu.dma_semaphore, #tpu.memory_space<semaphore_mem>>) {add = true}
        %dma_wait3A_97 = arith.constant 0 : i32
        %dma_wait3A_98 = tpu.memref_slice %arg7[%add3A_79, %dma_wait3A_97] : memref<40x128xi32, #tpu.memory_space<vmem>> -> memref<1x128xi32, #tpu.memory_space<vmem>>
        %dma_wait3A_99 = tpu.memref_squeeze %dma_wait3A_98 : memref<1x128xi32, #tpu.memory_space<vmem>> -> memref<128xi32, #tpu.memory_space<vmem>>
        %dma_wait3A_100 = arith.constant 0 : i32
        %dma_wait3A_101 = arith.constant 0 : i32
        %dma_wait3A_102 = tpu.memref_slice %arg10[%dma_wait3A_100, %dma_wait3A_101] : memref<10008x128xf32, #tpu.memory_space<vmem_shared>> -> memref<10008x128xf32, #tpu.memory_space<vmem_shared>>
        tpu.wait_indirect_dma semaphore(%run_scoped3A : memref<!tpu.dma_semaphore, #tpu.memory_space<semaphore_mem>>) src(%arg9 : memref<128x128xf32, #tpu.memory_space<vmem>>) dst(%dma_wait3A_102 : memref<10008x128xf32, #tpu.memory_space<vmem_shared>>)
        tpu.yield
      }) : () -> ()
      %lt3A_86 = arith.constant 19 : i32
      %lt3A_87 = arith.cmpi slt, %scan3A_64, %lt3A_86 : i32
      %convert_element_type3A_88 = arith.extui %lt3A_87 : i1 to i32
      %cond3A_89 = arith.constant 0 : i32
      %cond3A_90 = arith.cmpi ne, %convert_element_type3A_88, %cond3A_89 : i32
      scf.if %cond3A_90 {
        %add3A_91 = arith.constant 2 : i32
        %add3A_92 = arith.addi %add3A_79, %add3A_91 : i32
        %dma_start3A_93 = arith.constant 0 : i32
        %dma_start3A_94 = tpu.memref_slice %arg6[%add3A_92, %dma_start3A_93] : memref<40x128xi32, #tpu.memory_space<vmem>> -> memref<1x128xi32, #tpu.memory_space<vmem>>
        %dma_start3A_95 = tpu.memref_squeeze %dma_start3A_94 : memref<1x128xi32, #tpu.memory_space<vmem>> -> memref<128xi32, #tpu.memory_space<vmem>>
        %dma_start3A_96 = arith.constant 0 : i32
        %dma_start3A_97 = arith.constant 0 : i32
        %dma_start3A_98 = tpu.memref_slice %arg2[%dma_start3A_96, %dma_start3A_97] : memref<10000x128xf32, #tpu.memory_space<hbm>> -> memref<10000x128xf32, #tpu.memory_space<hbm>>
        tpu.enqueue_indirect_dma source(%dma_start3A_98 : memref<10000x128xf32, #tpu.memory_space<hbm>>) target(%arg9 : memref<128x128xf32, #tpu.memory_space<vmem>>) offsets(%dma_start3A_95 : memref<128xi32, #tpu.memory_space<vmem>>) semaphore(%arg12 : memref<!tpu.dma_semaphore, #tpu.memory_space<semaphore_mem>>)
      } else {
      }
    }
    %scan3A_57 = arith.constant 20 : i32
    %barrier3A_58 = arith.constant 0 : index
    tpu.barrier barrier_id(%barrier3A_58)
    "tpu.region"() ({
      %run_scoped3A = tpu.sem_alloc : memref<!tpu.dma_semaphore, #tpu.memory_space<semaphore_mem>>
      %dma_start3A_64 = arith.constant 0 : i32
      %dma_start3A_65 = tpu.memref_slice %arg5[%arg0, %mul3A_8, %dma_start3A_64] : memref<2x10000x128xf32, #tpu.memory_space<hbm>> -> memref<1x624x128xf32, #tpu.memory_space<hbm>>
      %dma_start3A_66 = tpu.memref_squeeze %dma_start3A_65 : memref<1x624x128xf32, #tpu.memory_space<hbm>> -> memref<624x128xf32, #tpu.memory_space<hbm>>
      %dma_start3A_67 = arith.constant 0 : i32
      %dma_start3A_68 = tpu.memref_slice %arg10[%mul3A_8, %dma_start3A_67] : memref<10008x128xf32, #tpu.memory_space<vmem_shared>> -> memref<624x128xf32, #tpu.memory_space<vmem_shared>>
      tpu.enqueue_dma source(%dma_start3A_68 : memref<624x128xf32, #tpu.memory_space<vmem_shared>>) target(%dma_start3A_66 : memref<624x128xf32, #tpu.memory_space<hbm>>) target_semaphore(%run_scoped3A : memref<!tpu.dma_semaphore, #tpu.memory_space<semaphore_mem>>)
      %dma_wait3A = arith.constant 0 : i32
      %dma_wait3A_69 = tpu.memref_slice %arg5[%arg0, %mul3A_8, %dma_wait3A] : memref<2x10000x128xf32, #tpu.memory_space<hbm>> -> memref<1x624x128xf32, #tpu.memory_space<hbm>>
      %dma_wait3A_70 = tpu.memref_squeeze %dma_wait3A_69 : memref<1x624x128xf32, #tpu.memory_space<hbm>> -> memref<624x128xf32, #tpu.memory_space<hbm>>
      %dma_wait3A_71 = arith.constant 0 : i32
      %dma_wait3A_72 = tpu.memref_slice %arg10[%mul3A_8, %dma_wait3A_71] : memref<10008x128xf32, #tpu.memory_space<vmem_shared>> -> memref<624x128xf32, #tpu.memory_space<vmem_shared>>
      tpu.wait_dma2 semaphore(%run_scoped3A : memref<!tpu.dma_semaphore, #tpu.memory_space<semaphore_mem>>) src(%dma_wait3A_72 : memref<624x128xf32, #tpu.memory_space<vmem_shared>>) dst(%dma_wait3A_70 : memref<624x128xf32, #tpu.memory_space<hbm>>)
      tpu.yield
    }) : () -> ()
    %eq3A_59 = arith.constant 15 : i32
    %eq3A_60 = arith.cmpi eq, %arg1, %eq3A_59 : i32
    %convert_element_type3A_61 = arith.extui %eq3A_60 : i1 to i32
    %cond3A_62 = arith.constant 0 : i32
    %cond3A_63 = arith.cmpi ne, %convert_element_type3A_61, %cond3A_62 : i32
    scf.if %cond3A_63 {
      "tpu.region"() ({
        %run_scoped3A = tpu.sem_alloc : memref<!tpu.dma_semaphore, #tpu.memory_space<semaphore_mem>>
        %dma_start3A_64 = arith.constant 9984 : i32
        %dma_start3A_65 = arith.constant 0 : i32
        %dma_start3A_66 = tpu.memref_slice %arg5[%arg0, %dma_start3A_64, %dma_start3A_65] : memref<2x10000x128xf32, #tpu.memory_space<hbm>> -> memref<1x16x128xf32, #tpu.memory_space<hbm>>
        %dma_start3A_67 = tpu.memref_squeeze %dma_start3A_66 : memref<1x16x128xf32, #tpu.memory_space<hbm>> -> memref<16x128xf32, #tpu.memory_space<hbm>>
        %dma_start3A_68 = arith.constant 9984 : i32
        %dma_start3A_69 = arith.constant 0 : i32
        %dma_start3A_70 = tpu.memref_slice %arg10[%dma_start3A_68, %dma_start3A_69] : memref<10008x128xf32, #tpu.memory_space<vmem_shared>> -> memref<16x128xf32, #tpu.memory_space<vmem_shared>>
        tpu.enqueue_dma source(%dma_start3A_70 : memref<16x128xf32, #tpu.memory_space<vmem_shared>>) target(%dma_start3A_67 : memref<16x128xf32, #tpu.memory_space<hbm>>) target_semaphore(%run_scoped3A : memref<!tpu.dma_semaphore, #tpu.memory_space<semaphore_mem>>)
        %dma_wait3A = arith.constant 9984 : i32
        %dma_wait3A_71 = arith.constant 0 : i32
        %dma_wait3A_72 = tpu.memref_slice %arg5[%arg0, %dma_wait3A, %dma_wait3A_71] : memref<2x10000x128xf32, #tpu.memory_space<hbm>> -> memref<1x16x128xf32, #tpu.memory_space<hbm>>
        %dma_wait3A_73 = tpu.memref_squeeze %dma_wait3A_72 : memref<1x16x128xf32, #tpu.memory_space<hbm>> -> memref<16x128xf32, #tpu.memory_space<hbm>>
        %dma_wait3A_74 = arith.constant 9984 : i32
        %dma_wait3A_75 = arith.constant 0 : i32
        %dma_wait3A_76 = tpu.memref_slice %arg10[%dma_wait3A_74, %dma_wait3A_75] : memref<10008x128xf32, #tpu.memory_space<vmem_shared>> -> memref<16x128xf32, #tpu.memory_space<vmem_shared>>
        tpu.wait_dma2 semaphore(%run_scoped3A : memref<!tpu.dma_semaphore, #tpu.memory_space<semaphore_mem>>) src(%dma_wait3A_76 : memref<16x128xf32, #tpu.memory_space<vmem_shared>>) dst(%dma_wait3A_73 : memref<16x128xf32, #tpu.memory_space<hbm>>)
        tpu.yield
      }) : () -> ()
    } else {
    }
    return
  }
}

module attributes {stable_mosaic.version = 14 : i64} {
  func.func @body(%arg0: memref<2x10000x128xf32, #tpu.memory_space<vmem>>, %arg1: memref<16x64xf32, #tpu.memory_space<vmem>>, %arg2: memref<16x64xf32, #tpu.memory_space<vmem>>, %arg3: memref<1x128xf32, #tpu.memory_space<vmem>>, %arg4: memref<1x128xf32, #tpu.memory_space<vmem>>, %arg5: memref<10000x128xf32, #tpu.memory_space<vmem>>) attributes {dimension_semantics = [], scalar_prefetch = 0 : i64, scratch_operands = 0 : i64, tpu.core_type = #tpu.core_type<tc>} {
    %get3A = arith.constant 0 : index
    %get3A_0 = arith.constant 0 : index
    %get3A_1 = arith.constant 0 : index
    %get3A_2 = vector.load %arg0[%get3A, %get3A_0, %get3A_1] : memref<2x10000x128xf32, #tpu.memory_space<vmem>>, vector<1x10000x128xf32>
    %get3A_3 = vector.shape_cast %get3A_2 : vector<1x10000x128xf32> to vector<10000x128xf32>
    %get3A_4 = arith.constant 1 : index
    %get3A_5 = arith.constant 0 : index
    %get3A_6 = arith.constant 0 : index
    %get3A_7 = vector.load %arg0[%get3A_4, %get3A_5, %get3A_6] : memref<2x10000x128xf32, #tpu.memory_space<vmem>>, vector<1x10000x128xf32>
    %get3A_8 = vector.shape_cast %get3A_7 : vector<1x10000x128xf32> to vector<10000x128xf32>
    %add3A = arith.addf %get3A_3, %get3A_8 : vector<10000x128xf32>
    %get3A_9 = arith.constant 0 : index
    %get3A_10 = arith.constant 0 : index
    %get3A_11 = vector.load %arg1[%get3A_9, %get3A_10] : memref<16x64xf32, #tpu.memory_space<vmem>>, vector<16x64xf32>
    %split3A = vector.extract_strided_slice %get3A_11 {offsets = [0, 0], sizes = [16, 16], strides = [1, 1]} : vector<16x64xf32> to vector<16x16xf32>
    %split3A_12 = vector.extract_strided_slice %get3A_11 {offsets = [0, 16], sizes = [16, 16], strides = [1, 1]} : vector<16x64xf32> to vector<16x16xf32>
    %split3A_13 = vector.extract_strided_slice %get3A_11 {offsets = [0, 32], sizes = [16, 16], strides = [1, 1]} : vector<16x64xf32> to vector<16x16xf32>
    %split3A_14 = vector.extract_strided_slice %get3A_11 {offsets = [0, 48], sizes = [16, 16], strides = [1, 1]} : vector<16x64xf32> to vector<16x16xf32>
    %neg3A = arith.constant 0.000000e+00 : f32
    %neg3A_15 = vector.broadcast %neg3A : f32 to vector<16x16xf32>
    %neg3A_16 = arith.subf %neg3A_15, %split3A_12 : vector<16x16xf32>
    %neg3A_17 = arith.constant 0.000000e+00 : f32
    %neg3A_18 = vector.broadcast %neg3A_17 : f32 to vector<16x16xf32>
    %neg3A_19 = arith.subf %neg3A_18, %split3A_13 : vector<16x16xf32>
    %neg3A_20 = arith.constant 0.000000e+00 : f32
    %neg3A_21 = vector.broadcast %neg3A_20 : f32 to vector<16x16xf32>
    %neg3A_22 = arith.subf %neg3A_21, %split3A_14 : vector<16x16xf32>
    %concatenate3A = tpu.concatenate %split3A, %neg3A_16, %neg3A_19, %neg3A_22 in 0 : vector<16x16xf32>, vector<16x16xf32>, vector<16x16xf32>, vector<16x16xf32> -> vector<64x16xf32>
    %neg3A_23 = arith.constant 0.000000e+00 : f32
    %neg3A_24 = vector.broadcast %neg3A_23 : f32 to vector<16x16xf32>
    %neg3A_25 = arith.subf %neg3A_24, %split3A_14 : vector<16x16xf32>
    %concatenate3A_26 = tpu.concatenate %split3A_12, %split3A, %neg3A_25, %split3A_13 in 0 : vector<16x16xf32>, vector<16x16xf32>, vector<16x16xf32>, vector<16x16xf32> -> vector<64x16xf32>
    %neg3A_27 = arith.constant 0.000000e+00 : f32
    %neg3A_28 = vector.broadcast %neg3A_27 : f32 to vector<16x16xf32>
    %neg3A_29 = arith.subf %neg3A_28, %split3A_12 : vector<16x16xf32>
    %concatenate3A_30 = tpu.concatenate %split3A_13, %split3A_14, %split3A, %neg3A_29 in 0 : vector<16x16xf32>, vector<16x16xf32>, vector<16x16xf32>, vector<16x16xf32> -> vector<64x16xf32>
    %neg3A_31 = arith.constant 0.000000e+00 : f32
    %neg3A_32 = vector.broadcast %neg3A_31 : f32 to vector<16x16xf32>
    %neg3A_33 = arith.subf %neg3A_32, %split3A_13 : vector<16x16xf32>
    %concatenate3A_34 = tpu.concatenate %split3A_14, %neg3A_33, %split3A_12, %split3A in 0 : vector<16x16xf32>, vector<16x16xf32>, vector<16x16xf32>, vector<16x16xf32> -> vector<64x16xf32>
    %concatenate3A_35 = tpu.concatenate %concatenate3A, %concatenate3A_26, %concatenate3A_30, %concatenate3A_34 in 1 : vector<64x16xf32>, vector<64x16xf32>, vector<64x16xf32>, vector<64x16xf32> -> vector<64x64xf32>
    %get3A_36 = arith.constant 0 : index
    %get3A_37 = arith.constant 0 : index
    %get3A_38 = vector.load %arg2[%get3A_36, %get3A_37] : memref<16x64xf32, #tpu.memory_space<vmem>>, vector<16x64xf32>
    %split3A_39 = vector.extract_strided_slice %get3A_38 {offsets = [0, 0], sizes = [16, 16], strides = [1, 1]} : vector<16x64xf32> to vector<16x16xf32>
    %split3A_40 = vector.extract_strided_slice %get3A_38 {offsets = [0, 16], sizes = [16, 16], strides = [1, 1]} : vector<16x64xf32> to vector<16x16xf32>
    %split3A_41 = vector.extract_strided_slice %get3A_38 {offsets = [0, 32], sizes = [16, 16], strides = [1, 1]} : vector<16x64xf32> to vector<16x16xf32>
    %split3A_42 = vector.extract_strided_slice %get3A_38 {offsets = [0, 48], sizes = [16, 16], strides = [1, 1]} : vector<16x64xf32> to vector<16x16xf32>
    %neg3A_43 = arith.constant 0.000000e+00 : f32
    %neg3A_44 = vector.broadcast %neg3A_43 : f32 to vector<16x16xf32>
    %neg3A_45 = arith.subf %neg3A_44, %split3A_40 : vector<16x16xf32>
    %neg3A_46 = arith.constant 0.000000e+00 : f32
    %neg3A_47 = vector.broadcast %neg3A_46 : f32 to vector<16x16xf32>
    %neg3A_48 = arith.subf %neg3A_47, %split3A_41 : vector<16x16xf32>
    %neg3A_49 = arith.constant 0.000000e+00 : f32
    %neg3A_50 = vector.broadcast %neg3A_49 : f32 to vector<16x16xf32>
    %neg3A_51 = arith.subf %neg3A_50, %split3A_42 : vector<16x16xf32>
    %concatenate3A_52 = tpu.concatenate %split3A_39, %neg3A_45, %neg3A_48, %neg3A_51 in 0 : vector<16x16xf32>, vector<16x16xf32>, vector<16x16xf32>, vector<16x16xf32> -> vector<64x16xf32>
    %neg3A_53 = arith.constant 0.000000e+00 : f32
    %neg3A_54 = vector.broadcast %neg3A_53 : f32 to vector<16x16xf32>
    %neg3A_55 = arith.subf %neg3A_54, %split3A_42 : vector<16x16xf32>
    %concatenate3A_56 = tpu.concatenate %split3A_40, %split3A_39, %neg3A_55, %split3A_41 in 0 : vector<16x16xf32>, vector<16x16xf32>, vector<16x16xf32>, vector<16x16xf32> -> vector<64x16xf32>
    %neg3A_57 = arith.constant 0.000000e+00 : f32
    %neg3A_58 = vector.broadcast %neg3A_57 : f32 to vector<16x16xf32>
    %neg3A_59 = arith.subf %neg3A_58, %split3A_40 : vector<16x16xf32>
    %concatenate3A_60 = tpu.concatenate %split3A_41, %split3A_42, %split3A_39, %neg3A_59 in 0 : vector<16x16xf32>, vector<16x16xf32>, vector<16x16xf32>, vector<16x16xf32> -> vector<64x16xf32>
    %neg3A_61 = arith.constant 0.000000e+00 : f32
    %neg3A_62 = vector.broadcast %neg3A_61 : f32 to vector<16x16xf32>
    %neg3A_63 = arith.subf %neg3A_62, %split3A_41 : vector<16x16xf32>
    %concatenate3A_64 = tpu.concatenate %split3A_42, %neg3A_63, %split3A_40, %split3A_39 in 0 : vector<16x16xf32>, vector<16x16xf32>, vector<16x16xf32>, vector<16x16xf32> -> vector<64x16xf32>
    %concatenate3A_65 = tpu.concatenate %concatenate3A_52, %concatenate3A_56, %concatenate3A_60, %concatenate3A_64 in 1 : vector<64x16xf32>, vector<64x16xf32>, vector<64x16xf32>, vector<64x16xf32> -> vector<64x64xf32>
    %broadcast_in_dim3A = arith.constant 0.000000e+00 : f32
    %broadcast_in_dim3A_66 = vector.broadcast %broadcast_in_dim3A : f32 to vector<64x64xf32>
    %concatenate3A_67 = tpu.concatenate %concatenate3A_35, %concatenate3A_65 in 1 : vector<64x64xf32>, vector<64x64xf32> -> vector<64x128xf32>
    %concatenate3A_68 = tpu.concatenate %broadcast_in_dim3A_66, %concatenate3A_35 in 1 : vector<64x64xf32>, vector<64x64xf32> -> vector<64x128xf32>
    %concatenate3A_69 = tpu.concatenate %concatenate3A_67, %concatenate3A_68 in 0 : vector<64x128xf32>, vector<64x128xf32> -> vector<128x128xf32>
    %dot_general3A = arith.constant dense<0.000000e+00> : vector<10000x128xf32>
    %dot_general3A_70 = tpu.matmul %add3A, %concatenate3A_69, %dot_general3A {dimension_numbers = #tpu.dot_dimension_numbers<[1], [0], [0], [1], [0, 0, 1, 1], [], []>, precision = #tpu.contract_precision<fp32>, transpose_lhs_hint = false} : vector<10000x128xf32>, vector<128x128xf32>, vector<10000x128xf32> -> vector<10000x128xf32>
    %reduce_sum3A = arith.constant dense<0.000000e+00> : vector<128xf32>
    %reduce_sum3A_71 = vector.multi_reduction <add>, %dot_general3A_70, %reduce_sum3A [0] : vector<10000x128xf32> to vector<128xf32>
    %broadcast_in_dim3A_72 = vector.shape_cast %reduce_sum3A_71 : vector<128xf32> to vector<1x128xf32>
    %div3A = arith.constant 1.000000e+04 : f32
    %div3A_73 = vector.broadcast %div3A : f32 to vector<1x128xf32>
    %div3A_74 = arith.divf %broadcast_in_dim3A_72, %div3A_73 : vector<1x128xf32>
    %sub3A = vector.broadcast %div3A_74 : vector<1x128xf32> to vector<10000x128xf32>
    %sub3A_75 = arith.subf %dot_general3A_70, %sub3A : vector<10000x128xf32>
    %mul3A = arith.mulf %sub3A_75, %sub3A_75 : vector<10000x128xf32>
    %reduce_sum3A_76 = arith.constant dense<0.000000e+00> : vector<128xf32>
    %reduce_sum3A_77 = vector.multi_reduction <add>, %mul3A, %reduce_sum3A_76 [0] : vector<10000x128xf32> to vector<128xf32>
    %broadcast_in_dim3A_78 = vector.shape_cast %reduce_sum3A_77 : vector<128xf32> to vector<1x128xf32>
    %div3A_79 = arith.constant 1.000000e+04 : f32
    %div3A_80 = vector.broadcast %div3A_79 : f32 to vector<1x128xf32>
    %div3A_81 = arith.divf %broadcast_in_dim3A_78, %div3A_80 : vector<1x128xf32>
    %add3A_82 = arith.constant 9.99999974E-6 : f32
    %add3A_83 = vector.broadcast %add3A_82 : f32 to vector<1x128xf32>
    %add3A_84 = arith.addf %div3A_81, %add3A_83 : vector<1x128xf32>
    %rsqrt3A = math.rsqrt %add3A_84 : vector<1x128xf32>
    %mul3A_85 = vector.broadcast %rsqrt3A : vector<1x128xf32> to vector<10000x128xf32>
    %mul3A_86 = arith.mulf %sub3A_75, %mul3A_85 : vector<10000x128xf32>
    %get3A_87 = arith.constant 0 : index
    %get3A_88 = arith.constant 0 : index
    %get3A_89 = vector.load %arg3[%get3A_87, %get3A_88] : memref<1x128xf32, #tpu.memory_space<vmem>>, vector<1x128xf32>
    %mul3A_90 = vector.broadcast %get3A_89 : vector<1x128xf32> to vector<10000x128xf32>
    %mul3A_91 = arith.mulf %mul3A_86, %mul3A_90 : vector<10000x128xf32>
    %get3A_92 = arith.constant 0 : index
    %get3A_93 = arith.constant 0 : index
    %get3A_94 = vector.load %arg4[%get3A_92, %get3A_93] : memref<1x128xf32, #tpu.memory_space<vmem>>, vector<1x128xf32>
    %add3A_95 = vector.broadcast %get3A_94 : vector<1x128xf32> to vector<10000x128xf32>
    %add3A_96 = arith.addf %mul3A_91, %add3A_95 : vector<10000x128xf32>
    %tanh3A = math.tanh %add3A_96 : vector<10000x128xf32>
    %swap3A = arith.constant 0 : index
    %swap3A_97 = arith.constant 0 : index
    %swap3A_98 = vector.load %arg5[%swap3A, %swap3A_97] : memref<10000x128xf32, #tpu.memory_space<vmem>>, vector<10000x128xf32>
    tpu.vector_store %arg5[%swap3A, %swap3A_97], %tanh3A {strides = array<i32>} : memref<10000x128xf32, #tpu.memory_space<vmem>>, vector<10000x128xf32>,
    return
  }
}

</mosaic_0001>

<sc_bundles>
// kernel: kernel.4.cloned.1.call-start
scs
__scs_entry_jumppad:
0x0: {  	(pc) =	sbr.rel $0x88, $3  }
0x1: {  	(tag) =	ssettag $0x0;
	lr =	simm.s32 $0x1  }
0x2: {  	[smem:$0x3F9B] =	sst lr;
	_ =	strace $0xD0000000  }
0x3: {  	_ = 	snop  }
0x4: {  	_ = 	snop  }
0x5: {  	_ = 	snop  }
0x6: {  	_ = 	snop  }
0x7: {  	_ = 	snop  }
__scs_overlays_trampoline_lowered:
0x8: {  	[smem:$0x3FAA] =	sst s0  }
0x9: {  	[smem:$0x3FAB] =	sst s1  }
0xa: {  	[smem:$0x3FAC] =	sst s2  }
0xb: {  	[smem:$0x3FAD] =	sst s3  }
0xc: {  	[smem:$0x3FAE] =	sst s4  }
0xd: {  	[smem:$0x3FAF] =	sst s5  }
0xe: {  	[smem:$0x3FB0] =	sst s6  }
0xf: {  	[smem:$0x3FB1] =	sst s7  }
0x10: {  	[smem:$0x3FB2] =	sst s8  }
0x11: {  	[smem:$0x3FB3] =	sst s9;
	s0 =	simm.s32 @!p0 $0x0  }
0x12: {  	s1 =	sld [smem:$0x3F99];
	s0 =	simm.s32 @p0 $0x1  }
0x13: {  	[smem:$0x3FB4] =	sst s0;
	s0 =	simm.s32 @!p1 $0x0  }
0x14: {  	s2 =	sld [smem:$0x3F98];
	s0 =	simm.s32 @p1 $0x1  }
0x15: {  	[smem:$0x3FB5] =	sst s0;
	s0 =	simm.s32 @!p2 $0x0  }
0x16: {  	s3 =	sld [smem:$0x3FDB];
	s0 =	simm.s32 @p2 $0x1  }
0x17: {  	s4 =	simm.s32 $0x1BF5;
	[smem:$0x3FB7] =	sst s0  }
0x18: {  	s0 =	sld [smem:$0x3F9A];
	_ =	swait.ge [sflag:s4], $0x0  }
0x19: {  	s7 =	sld [smem:$0x3F9B]  }
0x1a: {  	s8 =	sadd.s32 $0xFFFFE003, lr  }
0x1b: {  	s9 =	sadd.s32 $0xFFFFFEF7, lr;
	s5 =	simm.s32 $0xFFFFFFFF;
	p2 =	slt.u32 s8, $0xFFFFF086  }
0x1c: {  	p1 =	slt.u32 s9, $0xF7A;
	s5 =	simm.s32 @!p2 $0x0  }
0x1d: {  	s5 =	simm.s32 @p1 $0x1;
	p0 =	seq.s32 s7, s2  }
0x1e: {  	s7 =	smul.u32 @!p0 $0xF7A, s2;
	p2 =	seq.s32 @!p0 s5, $0x0  }
0x1f: {  	s9 =	smul.u32 $0xF7A, s1;
	s8 =	simm.s32 @!p0 $0x1BF5;
	p2 =	por !p2, p0  }
0x20: {  	[sflag:s8] =	ssyncset.s32 @!p0 $0xFFFFF086;
	s6 =	sadd.s32 @!p0 s3, s7;
	s7 =	simm.s32 @!p0 $0x108  }
0x21: {  	s3 =	sadd.s32 s3, s9;
	s6 =	sadd.s32 @!p0 $0x88, s6;
	s7 =	simm.s32 @p2 $0x1082  }
0x22: {  	[simem:s7], [sflag:s8] =	dma.local @!p0 [hbm:s6], $0xF7A  }
0x23: {  	s9 =	sor.u32 $0xD0000000, s2;
	s6 =	simm.s32 $0x108;
	_ =	swait.ge @!p0 [sflag:s8], $0x0  }
0x24: {  	s3 =	sadd.s32 $0x88, s3;
	s6 =	simm.s32 @!p1 $0x1082;
	[sflag:s4] =	ssyncset.s32 $0xFFFFF086  }
0x25: {  	[simem:s6], [sflag:s4] =	dma.local [hbm:s3], $0xF7A  }
0x26: {  	[smem:$0x3F9B] =	sst s1;
	(tag) =	ssettag s2;
	_ =	strace s9  }
0x27: {  	s1 =	sld [smem:$0x3FAB]  }
0x28: {  	s2 =	sld [smem:$0x3FAC]  }
0x29: {  	s4 =	sld [smem:$0x3FAE]  }
0x2a: {  	p0 =	seq.s32 s5, $0x0;
	s5 =	sld [smem:$0x3FAF]  }
0x2b: {  	s6 =	sld [smem:$0x3FB0]  }
0x2c: {  	s7 =	sld [smem:$0x3FB1]  }
0x2d: {  	s3 =	simm.s32 $0x108;
	s8 =	sld [smem:$0x3FB2]  }
0x2e: {  	s3 =	simm.s32 @!p0 $0x1082;
	s9 =	sld [smem:$0x3FB3]  }
0x2f: {  	lr =	sadd.s32 s0, s3;
	s0 =	sld [smem:$0x3FAA]  }
0x30: {  	s3 =	sld [smem:$0x3FAD]  }
0x31: {  	[smem:$0x3FB6] =	sst s10  }
0x32: {  	s10 =	sld [smem:$0x3FB4];
	_ =	sdelay $0x3  }
0x33: {  	p0 =	seq.s32 s10, $0x1;
	s10 =	sld [smem:$0x3FB6];
	_ =	sdelay $0x3  }
0x34: {  	[smem:$0x3FB6] =	sst s10  }
0x35: {  	s10 =	sld [smem:$0x3FB5];
	_ =	sdelay $0x3  }
0x36: {  	p1 =	seq.s32 s10, $0x1;
	s10 =	sld [smem:$0x3FB6];
	_ =	sdelay $0x3  }
0x37: {  	[smem:$0x3FB6] =	sst s10  }
0x38: {  	s10 =	sld [smem:$0x3FB7]  }
0x39: {  	_ = 	snop;
	(pc) =	sbr.ind lr, $3  }
0x3a: {  	_ = 	snop  }
0x3b: {  	_ = 	snop  }
0x3c: {  	p2 =	seq.s32 s10, $0x1;
	s10 =	sld [smem:$0x3FB6]  }
0x3d: {  	_ =	shalt  }
0x3e: {  	_ =	shalt  }
0x3f: {  	_ =	shalt  }
0x40: {  	_ =	shalt  }
0x41: {  	_ =	shalt  }
0x42: {  	_ =	shalt  }
0x43: {  	_ =	shalt  }
0x44: {  	_ =	shalt  }
0x45: {  	_ =	shalt  }
0x46: {  	_ =	shalt  }
0x47: {  	_ =	shalt  }
0x48: {  	_ =	shalt  }
0x49: {  	_ =	shalt  }
0x4a: {  	_ =	shalt  }
0x4b: {  	_ =	shalt  }
0x4c: {  	_ =	shalt  }
0x4d: {  	_ =	shalt  }
0x4e: {  	_ =	shalt  }
0x4f: {  	_ =	shalt  }
0x50: {  	_ =	shalt  }
0x51: {  	_ =	shalt  }
0x52: {  	_ =	shalt  }
0x53: {  	_ =	shalt  }
0x54: {  	_ =	shalt  }
0x55: {  	_ =	shalt  }
0x56: {  	_ =	shalt  }
0x57: {  	_ =	shalt  }
0x58: {  	_ =	shalt  }
0x59: {  	_ =	shalt  }
0x5a: {  	_ =	shalt  }
0x5b: {  	_ =	shalt  }
0x5c: {  	_ =	shalt  }
0x5d: {  	_ =	shalt  }
0x5e: {  	_ =	shalt  }
0x5f: {  	_ =	shalt  }
0x60: {  	_ =	shalt  }
0x61: {  	_ =	shalt  }
0x62: {  	_ =	shalt  }
0x63: {  	_ =	shalt  }
0x64: {  	_ =	shalt  }
0x65: {  	_ =	shalt  }
0x66: {  	_ =	shalt  }
0x67: {  	_ =	shalt  }
0x68: {  	_ =	shalt  }
0x69: {  	_ =	shalt  }
0x6a: {  	_ =	shalt  }
0x6b: {  	_ =	shalt  }
0x6c: {  	_ =	shalt  }
0x6d: {  	_ =	shalt  }
0x6e: {  	_ =	shalt  }
0x6f: {  	_ =	shalt  }
0x70: {  	_ =	shalt  }
0x71: {  	_ =	shalt  }
0x72: {  	_ =	shalt  }
0x73: {  	_ =	shalt  }
0x74: {  	_ =	shalt  }
0x75: {  	_ =	shalt  }
0x76: {  	_ =	shalt  }
0x77: {  	_ =	shalt  }
0x78: {  	_ =	shalt  }
0x79: {  	_ =	shalt  }
0x7a: {  	_ =	shalt  }
0x7b: {  	_ =	shalt  }
0x7c: {  	_ =	shalt  }
0x7d: {  	_ =	shalt  }
0x7e: {  	_ =	shalt  }
0x7f: {  	_ =	shalt  }
0x80: {  	_ =	shalt  }
0x81: {  	_ =	shalt  }
0x82: {  	_ =	shalt  }
0x83: {  	_ =	shalt  }
0x84: {  	_ =	shalt  }
0x85: {  	_ =	shalt  }
0x86: {  	_ =	shalt  }
0x87: {  	_ =	shalt  }
.Lfunc_end0:
.L_simem_size_0:
called_computation_lowered:
.L_overlay_start_0:
0x88: {  	s2 =	sld [smem:$0x3FD9]  }
0x89: {  	s3 =	sld [smem:$0x3FFE];
	_ =	sdelay $0x1  }
0x8a: {  	s1 =	srdreg.scid  }
0x8b: {  	s0 =	sand.u32 $0x1, s1  }
0x8c: {  	s17 =	sshll.u32 s0, $0xA;
	s2 =	sadd.s32 s3, s2  }
0x8d: {  	s2 =	sadd.s32 s2, s17  }
0x8e: {  	[smem:$0x3FC2] =	sst s2  }
0x8f: {  	_ = 	snop  }
0x90: {  	s2 =	sld [smem:$0x3FC9]  }
0x91: {  	s18 =	sld [smem:$0x3FD0];
	(tm) =	ssettm $0x1  }
0x92: {  	s4 =	sld [smem:$0x3FFB];
	_ =	sdelay $0x3  }
0x93: {  	_ =	strace s4  }
0x94: {  	s4 =	sld [smem:$0x3FFC];
	_ =	sdelay $0x3  }
0x95: {  	_ =	strace s4  }
0x96: {  	s4 =	sld [smem:$0x3FFD];
	_ =	sdelay $0x3  }
0x97: {  	_ =	strace s4  }
0x98: {  	_ =	strace $0x8FFFFFFF  }
0x99: {  	s19 =	sld [smem:$0x3FDB];
	_ =	sdelay $0x1  }
0x9a: {  	s5 =	simm.s32 $_scs_section_size  }
0x9b: {  	s6 =	simm.s32 $_size__tile_overlayer_lowered;
	s7 =	simm.s32 $_tile_overlayer_lowered  }
0x9c: {  	s22 =	simm.s32 $0x1BFF;
	s21 =	sshll.u32 s7, $0x1;
	s4 =	sadd.s32 s5, s19  }
0x9d: {  	s8 =	simm.s32 $0x0;
	s20 =	sshll.u32 s6, $0x1;
	s6 =	sadd.s32 s21, s4  }
0x9e: {  	[timem:s8], [sflag:s22] =	dma.local [hbm:s6], s20  }
0x9f: {  	_ =	swait.ge [sflag:s22], s20  }
0xa0: {  	s5 =	ssub.s32 $0x0, s20;
	[sflag:s22] =	ssyncset.done $0x0  }
0xa1: {  	[sflag:s22] =	ssyncadd.s32 s5;
	_ =	sdelay $0x1  }
0xa2: {  	s23 =	simm.s32 $0x1B8B  }
0xa3: {  	_ =	swait.ge [sflag:s23], $0x1  }
0xa4: {  	[sflag:s23] =	ssyncset.done $0x0  }
0xa5: {  	s25 =	simm.s32 $0x1B8E;
	s24 =	sld [smem:$0x3FFE];
	[sflag:s23] =	ssyncadd.s32 $0xFFFFFFFF  }
0xa6: {  	s26 =	simm.s32 $execute0_lowered;
	[smem:$0x3FD2] =	sst s25  }
0xa7: {  	s6 =	sshll.u32 s26, $0x1;
	_ =	strace $0x80000046;
	[dreg:$0x1] =	wrdreg $0xFFFFFFFF  }
0xa8: {  	s28 =	simm.s32 $_size_execute0_lowered;
	s4 =	sadd.s32 s4, s6;
	[dreg:$0x0] =	wrdreg $0x0  }
0xa9: {  	s6 =	sshll.u32 s28, $0x1;
	[dreg:$0x2] =	wrdreg s4  }
0xaa: {  	[dreg:$0x3] =	wrdreg s6  }
0xab: {  	[dreg:$0x4] =	wrdreg $0xC0  }
0xac: {  	_ =	task [dreg:s8], $0x5FFFF  }
0xad: {  	[dreg:$0x1] =	wrdreg $0xFFFFFFFF  }
0xae: {  	[dreg:$0x0] =	wrdreg $0x60  }
0xaf: {  	[dreg:$0x2] =	wrdreg s2  }
0xb0: {  	[dreg:$0x3] =	wrdreg s18  }
0xb1: {  	[dreg:$0x4] =	wrdreg s24  }
0xb2: {  	[dreg:$0x5] =	wrdreg $0xA8000  }
0xb3: {  	[dreg:$0x6] =	wrdreg $0x9  }
0xb4: {  	_ =	task.clear_ibuf [dreg:s8], $0x7FFFF;
	_ =	strace $0x90000046  }
0xb5: {  	s29 =	simm.s32 $0x9;
	_ =	strace $0x80000048  }
0xb6: {  	_ =	swait.ge [sflag:s29], $0x1  }
0xb7: {  	[sflag:s29] =	ssyncadd.s32 $0xFFFFFFFF  }
0xb8: {  	_ =	strace $0x90000048  }
0xb9: {  	_ =	sfence  }
0xba: {  	s30 =	sld [smem:$0x0];
	_ =	sdelay $0x2  }
0xbb: {  	s31 =	sshll.u32 s1, $0xD;
	s1 =	sshrl.u32 s1, $0x2  }
0xbc: {  	s3 =	sand.u32 $0x4000, s31;
	s1 =	sadd.s32 s1, s30  }
0xbd: {  	s0 =	sor.u32 s3, s0;
	s1 =	sshll.u32 s1, $0x11  }
0xbe: {  	s0 =	sor.u32 s1, s0  }
0xbf: {  	s0 =	sadd.s32 $0x8F2B, s0  }
0xc0: {  	[sflag:s0] =	ssyncadd.remote.s32 $0x1  }
0xc1: {  	_ =	sfence.sel $0xFFFF  }
0xc2: {  	[dreg:$0x0] =	wrdreg $0xFFFFFFFF;
	(pc) =	sbr.abs _section_cstart, $3  }
0xc3: {  	[dreg:$0x1] =	wrdreg $0xFFFFFFFF  }
0xc4: {  	_ =	task.clear_ibuf [dreg:s8], $0x2FFFF;
	_ =	strace $0x9FFFFFFF  }
0xc5: {  	(tm) =	ssettm $0x7FFFFFFF  }
tec
execute0_lowered:
.L_overlay_start_1:
0x0: {  	(tag) =	ssettag $0x1  }
0x1: {  	s1 =	rddreg [dreg:$0x0]  }
0x2: {  	s10 =	rddreg [dreg:$0x1]  }
0x3: {  	s5 =	rddreg [dreg:$0x2]  }
0x4: {  	s2 =	rddreg [dreg:$0x3]  }
0x5: {  	s0 =	rddreg [dreg:$0x4];
	s3 =	simm.s32 $0x0;
	s4 =	srdreg.scid  }
0x6: {  	s18 =	simm.s32 $0x2800;
	s19 =	simm.s32 $0x3;
	s20 =	simm.s32 $0x1400  }
0x7: {  	s21 =	simm.s32 $0x80;
	s22 =	simm.s32 $0x6800;
	s23 =	simm.s32 $0x1  }
0x8: {  	s24 =	simm.s32 $0x2;
	s25 =	simm.s32 $0x2700;
	s26 =	simm.s32 $0x2780  }
0x9: {  	[smem:$0x7FF] =	sst s3;
	s6 =	sand.u32 $0x1, s4;
	s4 =	stileid.u32  }
0xa: {  	s11 =	sadd.s32 $0x600, s5;
	s13 =	sadd.s32 $0xA600, s5;
	s9 =	smul.u32 $0x4E000, s4  }
0xb: {  	_ =	strace $0x80000047;
	s7 =	sshll.u32 s6, $0x4;
	s12 =	smul.u32 $0x138800, s6  }
0xc: {  	s8 =	ssub.s32 $0x2, s6;
	s16 =	smul.u32 $0x13800, s4;
	s7 =	sor.u32 s4, s7  }
0xd: {  	p0 =	sne.s32 s4, $0xF;
	s30 =	sshrl.u32 s8, $0x1;
	s7 =	smul.u32 $0x2800, s7  }
0xe: {  	s14 =	ssub.s32 s8, s30;
	s31 =	sshrl.u32 s9, $0x2;
	s16 =	sadd.s32 s16, s12  }
0xf: {  	s17 =	sshrl.u32 s12, $0x3;
	s5 =	sadd.s32 s31, s2;
	s16 =	sshrl.u32 s16, $0x3  }
0x10: {  	s14 =	smax.u32 s14, $0x1;
	s15 =	sshrl.u32 s7, $0x3;
	s6 =	sadd.s32 $0x10000, s5  }
0x11: {  	s7 =	sadd.s32 $0x138000, s2;
	s12 =	sadd.s32 s13, s16;
	s13 =	sadd.s32 s13, s17  }
0x12: {  	s16 =	sadd.s32 $0x8000, s5;
	s17 =	sadd.s32 $0xC000, s5;
	s8 =	sadd.s32 s10, s15  }
0x13: {  	s9 =	sadd.s32 s11, s15;
	s15 =	sadd.s32 $0x280, s15;
	s13 =	sadd.s32 $0x27000, s13  }
0x14: {  	v0 =	vimm.f32 $0.0e+00;
	s10 =	sadd.s32 s10, s15;
	s11 =	sadd.s32 s11, s15;
	s15 =	sadd.s32 $0x4000, s5  }
.LBB2_1:
0x15: {  	s28 =	simm.s32 $0x0;
	s29 =	simm.s32 $0x200  }
.LBB2_2:
0x16: {  	p1 =	sne.s32 s29, $0xFE00;
	[tilespmem:s28+$0x2870] =	vst v0  }
0x17: {  	[tilespmem:s28+$0x2800] =	vst v0  }
0x18: {  	[tilespmem:s28+$0x2810] =	vst v0  }
.Ltmp0:
0x19: {  	[tilespmem:s28+$0x2820] =	vst v0;
	(pc) =	sbr.rel @p1 .LBB2_2-.Ltmp0, $4  }
0x1a: {  	[tilespmem:s28+$0x2830] =	vst v0  }
0x1b: {  	[tilespmem:s28+$0x2840] =	vst v0  }
0x1c: {  	[tilespmem:s28+$0x2850] =	vst v0  }
0x1d: {  	[tilespmem:s28+$0x2860] =	vst v0;
	s28 =	sshra.s32 s29, $0x2;
	s29 =	sadd.s32 $0x200, s29  }
0x1e: {  	[tilespmem:s28+$0x2870] =	vst v0  }
0x1f: {  	[tilespmem:s28+$0x2800] =	vst v0  }
0x20: {  	[tilespmem:s28+$0x2810] =	vst v0  }
0x21: {  	[tilespmem:s28+$0x2820] =	vst v0  }
0x22: {  	[tilespmem:s28+$0x2830] =	vst v0  }
0x23: {  	[tilespmem:s28+$0x2840] =	vst v0  }
0x24: {  	[tilespmem:s28+$0x2850] =	vst v0  }
0x25: {  	[tilespmem:s28+$0x2860] =	vst v0  }
0x26: {  	[spmem:s5] =	stream.linear.scatter [tilespmem:s18], [sflag:$0x3], $0x4000, $0x38;
	[tilespmem:$0x1E0C0] =	vst v63  }
0x27: {  	_ =	swait.ge [sflag:s19], $0x4000  }
0x28: {  	[sflag:s19] =	ssyncset.done $0x0  }
0x29: {  	[sflag:s19] =	ssyncadd.s32 $0xFFFFC000  }
0x2a: {  	[spmem:s15] =	stream.linear.scatter [tilespmem:s18], [sflag:$0x3], $0x4000, $0x38;
	[tilespmem:$0x1E0C0] =	vst v63  }
0x2b: {  	_ =	swait.ge [sflag:s19], $0x4000  }
0x2c: {  	[sflag:s19] =	ssyncset.done $0x0  }
0x2d: {  	[sflag:s19] =	ssyncadd.s32 $0xFFFFC000  }
0x2e: {  	[spmem:s16] =	stream.linear.scatter [tilespmem:s18], [sflag:$0x3], $0x4000, $0x38;
	[tilespmem:$0x1E0C0] =	vst v63  }
0x2f: {  	_ =	swait.ge [sflag:s19], $0x4000  }
0x30: {  	[sflag:s19] =	ssyncset.done $0x0  }
0x31: {  	[sflag:s19] =	ssyncadd.s32 $0xFFFFC000  }
0x32: {  	[spmem:s17] =	stream.linear.scatter [tilespmem:s18], [sflag:$0x3], $0x4000, $0x38;
	[tilespmem:$0x1E0C0] =	vst v63  }
0x33: {  	_ =	swait.ge [sflag:s19], $0x4000  }
0x34: {  	[sflag:s19] =	ssyncset.done $0x0  }
0x35: {  	[sflag:s19] =	ssyncadd.s32 $0xFFFFC000  }
0x36: {  	[spmem:s6] =	stream.linear.scatter [tilespmem:s18], [sflag:$0x3], $0x3800, $0x38;
	[tilespmem:$0x1E0C0] =	vst v63  }
0x37: {  	_ =	swait.ge [sflag:s19], $0x3800  }
0x38: {  	[sflag:s19] =	ssyncset.done $0x0  }
0x39: {  	s28 =	simm.s32 @!p0 $0x2800;
	[sflag:s19] =	ssyncadd.s32 $0xFFFFC800  }
0x3a: {  	[spmem:s7] =	stream.linear.scatter @!p0 [tilespmem:s28], [sflag:$0x3], $0x800, $0x38;
	[tilespmem:$0x1E0C0] =	vst v63  }
0x3b: {  	s28 =	simm.s32 @!p0 $0x3  }
0x3c: {  	_ =	swait.ge @!p0 [sflag:s28], $0x800  }
0x3d: {  	[sflag:s28] =	ssyncset.done @!p0 $0x0  }
0x3e: {  	[sflag:s28] =	ssyncadd.s32 @!p0 $0xFFFFF800  }
0x3f: {  	s28 =	simm.s32 $0x0;
	[bflag:$0x0] =	sbarrier.arrive $0xFFFF  }
0x40: {  	[tilespmem:s28], [sflag:$0x3] =	stream.linear.gather [hbm4b:s8+s28], $0x1400, $0x38;
	[tilespmem:$0x1E0C0] =	vst v63  }
0x41: {  	_ =	swait.ge [sflag:s19], $0x1400  }
0x42: {  	[sflag:s19] =	ssyncset.done $0x0  }
0x43: {  	[sflag:s19] =	ssyncadd.s32 $0xFFFFEC00  }
0x44: {  	[tilespmem:s20], [sflag:$0x3] =	stream.linear.gather [hbm4b:s9+s28], $0x1400, $0x38;
	[tilespmem:$0x1E0C0] =	vst v63  }
0x45: {  	_ =	swait.ge [sflag:s19], $0x1400  }
0x46: {  	[sflag:s19] =	ssyncset.done $0x0  }
0x47: {  	[sflag:s19] =	ssyncadd.s32 $0xFFFFEC00  }
0x48: {  	[tilespmem:s18], [sflag:$0x1] =	stream.indirect.gather [hbm4b:s1+s21], $0x80, s28, s21, $0xb8;
	[tilespmem:$0x1E0C0] =	vst v63  }
0x49: {  	_ = 	snop  }
0x4a: {  	[tilespmem:s22], [sflag:$0x2] =	stream.indirect.gather [hbm4b:s1+s21], $0x80, s21, s21, $0xb8;
	[tilespmem:$0x1E0C0] =	vst v63  }
0x4b: {  	_ =	swait.ge [sflag:s23], $0x4000  }
0x4c: {  	[sflag:s23] =	ssyncset.done $0x0  }
0x4d: {  	s28 =	simm.s32 $0x1400;
	[sflag:s23] =	ssyncadd.s32 $0xFFFFC000  }
0x4e: {  	[spmem:s2] =	stream.indirect.scatter.add.f32 [tilespmem:s18], [sflag:$0x3], $0x80, s28, s21, $0xb8;
	[tilespmem:$0x1E0C0] =	vst v63  }
0x4f: {  	_ =	swait.ge [sflag:s19], $0x4000  }
0x50: {  	[sflag:s19] =	ssyncset.done $0x0  }
0x51: {  	s28 =	simm.s32 $0x100;
	[sflag:s19] =	ssyncadd.s32 $0xFFFFC000  }
0x52: {  	[tilespmem:s18], [sflag:$0x1] =	stream.indirect.gather [hbm4b:s1+s21], $0x80, s28, s21, $0xb8;
	[tilespmem:$0x1E0C0] =	vst v63  }
0x53: {  	_ =	swait.ge [sflag:s24], $0x4000  }
0x54: {  	[sflag:s24] =	ssyncset.done $0x0  }
0x55: {  	s28 =	simm.s32 $0x1480;
	[sflag:s24] =	ssyncadd.s32 $0xFFFFC000  }
0x56: {  	[spmem:s2] =	stream.indirect.scatter.add.f32 [tilespmem:s22], [sflag:$0x3], $0x80, s28, s21, $0xb8;
	[tilespmem:$0x1E0C0] =	vst v63  }
0x57: {  	_ =	swait.ge [sflag:s19], $0x4000  }
0x58: {  	[sflag:s19] =	ssyncset.done $0x0  }
0x59: {  	s29 =	simm.s32 $0x180;
	s28 =	simm.s32 $0x400;
	[sflag:s19] =	ssyncadd.s32 $0xFFFFC000  }
.LBB2_4:
0x5a: {  	[tilespmem:s22], [sflag:$0x2] =	stream.indirect.gather [hbm4b:s1+s21], $0x80, s29, s21, $0xb8;
	[tilespmem:$0x1E0C0] =	vst v63  }
0x5b: {  	s29 =	smov.u32 s28  }
0x5c: {  	p1 =	sne.s32 s28, $0x4800;
	s28 =	sadd.s32 $0x400, s28;
	_ =	swait.ge [sflag:s23], $0x4000  }
0x5d: {  	s29 =	sshra.s32 s29, $0x2;
	[sflag:s23] =	ssyncset.done $0x0  }
0x5e: {  	s30 =	sadd.s32 $0x1400, s29;
	[sflag:s23] =	ssyncadd.s32 $0xFFFFC000  }
0x5f: {  	[spmem:s2] =	stream.indirect.scatter.add.f32 [tilespmem:s18], [sflag:$0x3], $0x80, s30, s21, $0xb8;
	[tilespmem:$0x1E0C0] =	vst v63  }
0x60: {  	_ =	swait.ge [sflag:s19], $0x4000  }
0x61: {  	[sflag:s19] =	ssyncset.done $0x0  }
0x62: {  	s30 =	sadd.s32 $0x100, s29;
	[sflag:s19] =	ssyncadd.s32 $0xFFFFC000  }
0x63: {  	[tilespmem:s18], [sflag:$0x1] =	stream.indirect.gather [hbm4b:s1+s21], $0x80, s30, s21, $0xb8;
	[tilespmem:$0x1E0C0] =	vst v63  }
0x64: {  	_ =	swait.ge [sflag:s24], $0x4000  }
0x65: {  	[sflag:s24] =	ssyncset.done $0x0  }
.Ltmp1:
0x66: {  	s30 =	sadd.s32 $0x1480, s29;
	[sflag:s24] =	ssyncadd.s32 $0xFFFFC000;
	(pc) =	sbr.rel @p1 .LBB2_4-.Ltmp1, $4  }
0x67: {  	[spmem:s2] =	stream.indirect.scatter.add.f32 [tilespmem:s22], [sflag:$0x3], $0x80, s30, s21, $0xb8;
	[tilespmem:$0x1E0C0] =	vst v63  }
0x68: {  	_ =	swait.ge [sflag:s19], $0x4000  }
0x69: {  	[sflag:s19] =	ssyncset.done $0x0  }
0x6a: {  	s29 =	sadd.s32 $0x180, s29;
	[sflag:s19] =	ssyncadd.s32 $0xFFFFC000  }
0x6b: {  	[tilespmem:s22], [sflag:$0x2] =	stream.indirect.gather [hbm4b:s1+s21], $0x80, s29, s21, $0xb8;
	[tilespmem:$0x1E0C0] =	vst v63  }
0x6c: {  	_ =	swait.ge [sflag:s23], $0x4000  }
0x6d: {  	[sflag:s23] =	ssyncset.done $0x0  }
0x6e: {  	[sflag:s23] =	ssyncadd.s32 $0xFFFFC000  }
0x6f: {  	[spmem:s2] =	stream.indirect.scatter.add.f32 [tilespmem:s18], [sflag:$0x3], $0x80, s25, s21, $0xb8;
	[tilespmem:$0x1E0C0] =	vst v63  }
0x70: {  	_ =	swait.ge [sflag:s19], $0x4000  }
0x71: {  	[sflag:s19] =	ssyncset.done $0x0  }
0x72: {  	[sflag:s19] =	ssyncadd.s32 $0xFFFFC000  }
0x73: {  	_ =	swait.ge [sflag:s24], $0x4000  }
0x74: {  	[sflag:s24] =	ssyncset.done $0x0  }
0x75: {  	[sflag:s24] =	ssyncadd.s32 $0xFFFFC000  }
0x76: {  	[spmem:s2] =	stream.indirect.scatter.add.f32 [tilespmem:s22], [sflag:$0x3], $0x80, s26, s21, $0xb8;
	[tilespmem:$0x1E0C0] =	vst v63  }
0x77: {  	_ =	swait.ge [sflag:s19], $0x4000  }
0x78: {  	[sflag:s19] =	ssyncset.done $0x0  }
0x79: {  	s28 =	simm.s32 $0x0;
	[sflag:s19] =	ssyncadd.s32 $0xFFFFC000  }
0x7a: {  	[tilespmem:s28], [sflag:$0x3] =	stream.linear.gather [hbm4b:s10+s28], $0x1400, $0x38;
	[tilespmem:$0x1E0C0] =	vst v63  }
0x7b: {  	_ =	swait.ge [sflag:s19], $0x1400  }
0x7c: {  	[sflag:s19] =	ssyncset.done $0x0  }
0x7d: {  	[sflag:s19] =	ssyncadd.s32 $0xFFFFEC00  }
0x7e: {  	[tilespmem:s20], [sflag:$0x3] =	stream.linear.gather [hbm4b:s11+s28], $0x1400, $0x38;
	[tilespmem:$0x1E0C0] =	vst v63  }
0x7f: {  	_ =	swait.ge [sflag:s19], $0x1400  }
0x80: {  	[sflag:s19] =	ssyncset.done $0x0  }
0x81: {  	[sflag:s19] =	ssyncadd.s32 $0xFFFFEC00  }
0x82: {  	[tilespmem:s18], [sflag:$0x1] =	stream.indirect.gather [hbm4b:s1+s21], $0x80, s28, s21, $0xb8;
	[tilespmem:$0x1E0C0] =	vst v63  }
0x83: {  	_ = 	snop  }
0x84: {  	[tilespmem:s22], [sflag:$0x2] =	stream.indirect.gather [hbm4b:s1+s21], $0x80, s21, s21, $0xb8;
	[tilespmem:$0x1E0C0] =	vst v63  }
0x85: {  	_ =	swait.ge [sflag:s23], $0x4000  }
0x86: {  	[sflag:s23] =	ssyncset.done $0x0  }
0x87: {  	s28 =	simm.s32 $0x1400;
	[sflag:s23] =	ssyncadd.s32 $0xFFFFC000  }
0x88: {  	[spmem:s2] =	stream.indirect.scatter.add.f32 [tilespmem:s18], [sflag:$0x3], $0x80, s28, s21, $0xb8;
	[tilespmem:$0x1E0C0] =	vst v63  }
0x89: {  	_ =	swait.ge [sflag:s19], $0x4000  }
0x8a: {  	[sflag:s19] =	ssyncset.done $0x0  }
0x8b: {  	s28 =	simm.s32 $0x100;
	[sflag:s19] =	ssyncadd.s32 $0xFFFFC000  }
0x8c: {  	[tilespmem:s18], [sflag:$0x1] =	stream.indirect.gather [hbm4b:s1+s21], $0x80, s28, s21, $0xb8;
	[tilespmem:$0x1E0C0] =	vst v63  }
0x8d: {  	_ =	swait.ge [sflag:s24], $0x4000  }
0x8e: {  	[sflag:s24] =	ssyncset.done $0x0  }
0x8f: {  	s28 =	simm.s32 $0x1480;
	[sflag:s24] =	ssyncadd.s32 $0xFFFFC000  }
0x90: {  	[spmem:s2] =	stream.indirect.scatter.add.f32 [tilespmem:s22], [sflag:$0x3], $0x80, s28, s21, $0xb8;
	[tilespmem:$0x1E0C0] =	vst v63  }
0x91: {  	_ =	swait.ge [sflag:s19], $0x4000  }
0x92: {  	[sflag:s19] =	ssyncset.done $0x0  }
0x93: {  	s29 =	simm.s32 $0x180;
	s28 =	simm.s32 $0x400;
	[sflag:s19] =	ssyncadd.s32 $0xFFFFC000  }
.LBB2_6:
0x94: {  	[tilespmem:s22], [sflag:$0x2] =	stream.indirect.gather [hbm4b:s1+s21], $0x80, s29, s21, $0xb8;
	[tilespmem:$0x1E0C0] =	vst v63  }
0x95: {  	s29 =	smov.u32 s28  }
0x96: {  	p1 =	sne.s32 s28, $0x4800;
	s28 =	sadd.s32 $0x400, s28;
	_ =	swait.ge [sflag:s23], $0x4000  }
0x97: {  	s29 =	sshra.s32 s29, $0x2;
	[sflag:s23] =	ssyncset.done $0x0  }
0x98: {  	s30 =	sadd.s32 $0x1400, s29;
	[sflag:s23] =	ssyncadd.s32 $0xFFFFC000  }
0x99: {  	[spmem:s2] =	stream.indirect.scatter.add.f32 [tilespmem:s18], [sflag:$0x3], $0x80, s30, s21, $0xb8;
	[tilespmem:$0x1E0C0] =	vst v63  }
0x9a: {  	_ =	swait.ge [sflag:s19], $0x4000  }
0x9b: {  	[sflag:s19] =	ssyncset.done $0x0  }
0x9c: {  	s30 =	sadd.s32 $0x100, s29;
	[sflag:s19] =	ssyncadd.s32 $0xFFFFC000  }
0x9d: {  	[tilespmem:s18], [sflag:$0x1] =	stream.indirect.gather [hbm4b:s1+s21], $0x80, s30, s21, $0xb8;
	[tilespmem:$0x1E0C0] =	vst v63  }
0x9e: {  	_ =	swait.ge [sflag:s24], $0x4000  }
0x9f: {  	[sflag:s24] =	ssyncset.done $0x0  }
.Ltmp2:
0xa0: {  	s30 =	sadd.s32 $0x1480, s29;
	[sflag:s24] =	ssyncadd.s32 $0xFFFFC000;
	(pc) =	sbr.rel @p1 .LBB2_6-.Ltmp2, $4  }
0xa1: {  	[spmem:s2] =	stream.indirect.scatter.add.f32 [tilespmem:s22], [sflag:$0x3], $0x80, s30, s21, $0xb8;
	[tilespmem:$0x1E0C0] =	vst v63  }
0xa2: {  	_ =	swait.ge [sflag:s19], $0x4000  }
0xa3: {  	[sflag:s19] =	ssyncset.done $0x0  }
0xa4: {  	s29 =	sadd.s32 $0x180, s29;
	[sflag:s19] =	ssyncadd.s32 $0xFFFFC000  }
0xa5: {  	[tilespmem:s22], [sflag:$0x2] =	stream.indirect.gather [hbm4b:s1+s21], $0x80, s29, s21, $0xb8;
	[tilespmem:$0x1E0C0] =	vst v63  }
0xa6: {  	_ =	swait.ge [sflag:s23], $0x4000  }
0xa7: {  	[sflag:s23] =	ssyncset.done $0x0  }
0xa8: {  	[sflag:s23] =	ssyncadd.s32 $0xFFFFC000  }
0xa9: {  	[spmem:s2] =	stream.indirect.scatter.add.f32 [tilespmem:s18], [sflag:$0x3], $0x80, s25, s21, $0xb8;
	[tilespmem:$0x1E0C0] =	vst v63  }
0xaa: {  	_ =	swait.ge [sflag:s19], $0x4000  }
0xab: {  	[sflag:s19] =	ssyncset.done $0x0  }
0xac: {  	[sflag:s19] =	ssyncadd.s32 $0xFFFFC000  }
0xad: {  	_ =	swait.ge [sflag:s24], $0x4000  }
0xae: {  	[sflag:s24] =	ssyncset.done $0x0  }
0xaf: {  	[sflag:s24] =	ssyncadd.s32 $0xFFFFC000  }
0xb0: {  	[spmem:s2] =	stream.indirect.scatter.add.f32 [tilespmem:s22], [sflag:$0x3], $0x80, s26, s21, $0xb8;
	[tilespmem:$0x1E0C0] =	vst v63  }
0xb1: {  	_ =	swait.ge [sflag:s19], $0x4000  }
0xb2: {  	[sflag:s19] =	ssyncset.done $0x0  }
0xb3: {  	s28 =	sshll.u32 s4, $0x6;
	[sflag:s19] =	ssyncadd.s32 $0xFFFFC000  }
0xb4: {  	s31 =	sshrl.u32 s5, $0x3;
	s28 =	sor.u32 $0x1C03, s28;
	[bflag:$0x0] =	sbarrier.arrive $0xFFFF  }
0xb5: {  	[hbm:s12], [sflag:s28] =	dma.local [spmem:s31], $0x2700  }
0xb6: {  	_ =	swait.ge [sflag:s19], $0x2700  }
0xb7: {  	s3 =	sadd.s32 $0x1, s3;
	[sflag:s19] =	ssyncset.done $0x0  }
0xb8: {  	s29 =	sshrl.u32 @!p0 s7, $0x3;
	p1 =	sne.s32 s3, s14;
	[sflag:s19] =	ssyncadd.s32 $0xFFFFD900  }
0xb9: {  	[hbm:s13], [sflag:s28] =	dma.local @!p0 [spmem:s29], $0x100  }
.Ltmp3:
0xba: {  	_ = 	snop;
	(pc) =	sbr.rel @p1 .LBB2_1-.Ltmp3, $4  }
0xbb: {  	s28 =	simm.s32 @!p0 $0x3  }
0xbc: {  	_ =	swait.ge @!p0 [sflag:s28], $0x100  }
0xbd: {  	[sflag:s28] =	ssyncset.done @!p0 $0x0  }
0xbe: {  	[sflag:s28] =	ssyncadd.s32 @!p0 $0xFFFFFF00  }
0xbf: {  	_ =	sfence.sel $0x180000  }
0xc0: {  	[bflag:$0x0] =	sbarrier.arrive $0xFFFF  }
0xc1: {  	p0 =	sne.s32 s4, $0x0;
	_ =	strace $0x90000047  }
0xc2: {  	s0 =	sadd.s32 @!p0 $0x100000, s0;
	[bflag:$0x2] =	sbarrier.arrive $0xFFFF  }
0xc3: {  	[sflag:s0] =	ssyncadd.tile.s32 @!p0 $0x1;
	_ =	shalt  }
.Lfunc_end2:
_tile_overlayer_lowered:
.L_overlay_start_2:
0xc4: {  	(tag) =	ssettag $0x2  }
0xc5: {  	s0 =	rddreg [dreg:$0x0];
	s2 =	stileid.u32  }
0xc6: {  	s1 =	rddreg [dreg:$0x1];
	p0 =	sne.s32 s2, $0x0  }
0xc7: {  	s3 =	rddreg [dreg:$0x2];
	[bflag:$0x3] =	sbarrier.arrive $0xFFFF;
	s2 =	simm.s32 @!p0 $0x1C03  }
0xc8: {  	[timem:s3], [sflag:s2] =	dma.local @!p0 [hbm:s0], s1  }
0xc9: {  	s0 =	simm.s32 @!p0 $0x3  }
0xca: {  	_ =	swait.ge @!p0 [sflag:s0], s1  }
0xcb: {  	s1 =	ssub.s32 @!p0 $0x0, s1;
	[sflag:s0] =	ssyncset.done @!p0 $0x0  }
0xcc: {  	[sflag:s0] =	ssyncadd.s32 @!p0 s1  }
0xcd: {  	[bflag:$0x3] =	sbarrier.arrive $0xFFFF  }
0xce: {  	_ =	shalt  }

</sc_bundles>
